<compile_context>
chip_gen: v7x
topology: tpu7x:2x2x1
jax: 0.10.2.dev20260603
libtpu: 0.0.44.dev20260713+nightly
codegen_flags: <defaults>
</compile_context>

<pallas_src>
import functools

import jax
import jax.numpy as jnp
from jax import lax
from jax.experimental import pallas as pl
from jax.experimental.pallas import tpu as pltpu
from jax.experimental.pallas import tpu_sc as plsc

N = 10000
E = 320000
D = 128
NCORES = 2
NSUB = 16
NTILES = NCORES * NSUB
CHUNK = 128
NCHUNK = 80
EDGES_PER_TILE = CHUNK * NCHUNK
E_PAD = NTILES * EDGES_PER_TILE
NSH = 10240
BR = 1000
NB = 2
NROUND = NCHUNK // NB

_ZC5 = ((0, 128), (1, 128), (2, 128), (3, 128), (4, 128))


def _mesh():
    return plsc.VectorSubcoreMesh(core_axis_name="c", subcore_axis_name="s")


@functools.partial(
    pl.kernel,
    out_type=jax.ShapeDtypeStruct((NCORES, NSH), jnp.float32),
    scratch_types=[
        pltpu.VMEM((NCHUNK, CHUNK), jnp.int32),
        pltpu.VMEM((CHUNK,), jnp.float32),
        pltpu.VMEM((640,), jnp.float32),
        pltpu.VMEM_SHARED((NSH,), jnp.float32),
        pltpu.SemaphoreType.DMA,
    ],
    mesh=_mesh(),
)
def _deg_call(rp_hbm, deg_hbm, ridx_v, ones_v, zbuf, deg_sh, sem):
    c = lax.axis_index("c")
    s = lax.axis_index("s")
    wid = c * NSUB + s
    for j in range(CHUNK // 16):
        ones_v[pl.ds(j * 16, 16)] = jnp.ones((16,), jnp.float32)
    for j in range(640 // 16):
        zbuf[pl.ds(j * 16, 16)] = jnp.zeros((16,), jnp.float32)
    pltpu.sync_copy(zbuf, deg_sh.at[pl.ds(s * 640, 640)])
    pltpu.sync_copy(rp_hbm.at[pl.ds(wid * NCHUNK, NCHUNK)], ridx_v)
    plsc.subcore_barrier()

    def body(k, carry):
        pltpu.sync_copy(ones_v, deg_sh.at[ridx_v.at[k]], add=True)
        return carry

    lax.fori_loop(0, NCHUNK, body, 0)
    plsc.subcore_barrier()
    pltpu.sync_copy(deg_sh.at[pl.ds(s * 640, 640)],
                    deg_hbm.at[c, pl.ds(s * 640, 640)])


@functools.partial(
    pl.kernel,
    out_type=jax.ShapeDtypeStruct((NCORES, NSH, D), jnp.float32),
    scratch_types=[
        pltpu.VMEM((CHUNK,), jnp.int32),
        pltpu.VMEM((CHUNK,), jnp.int32),
        pltpu.VMEM((CHUNK,), jnp.int32),
        pltpu.VMEM((CHUNK,), jnp.int32),
        pltpu.VMEM((CHUNK,), jnp.int32),
        pltpu.VMEM((CHUNK,), jnp.int32),
        pltpu.VMEM((CHUNK,), jnp.int32),
        pltpu.VMEM((CHUNK,), jnp.int32),
        pltpu.VMEM((CHUNK, D), jnp.float32),
        pltpu.VMEM((CHUNK, D), jnp.float32),
        pltpu.VMEM_SHARED((NSH, D), jnp.float32),
        pltpu.SemaphoreType.DMA,
        pltpu.SemaphoreType.DMA,
        pltpu.SemaphoreType.DMA,
        pltpu.SemaphoreType.DMA,
        pltpu.SemaphoreType.DMA,
        pltpu.SemaphoreType.DMA,
        pltpu.SemaphoreType.DMA,
        pltpu.SemaphoreType.DMA,
        pltpu.SemaphoreType.DMA,
        pltpu.SemaphoreType.DMA,
    ],
    mesh=_mesh(),
)
def _msg_call(cp_hbm, rp_hbm, h_hbm, z_hbm, out_hbm,
              cb0, cb1, cb2, cb3, rb0, rb1, rb2, rb3, m0, m1, acc_sh,
              g0, g1, c0, c1, c2, c3, r0, r1, r2, r3):
    cbufs = (cb0, cb1, cb2, cb3)
    rbufs = (rb0, rb1, rb2, rb3)
    msgs = (m0, m1)
    gsems = (g0, g1)
    csems = (c0, c1, c2, c3)
    rsems = (r0, r1, r2, r3)
    c = lax.axis_index("c")
    s = lax.axis_index("s")
    wid = c * NSUB + s
    for k, sz in _ZC5:
        pltpu.sync_copy(z_hbm.at[pl.ds(0, sz)],
                        acc_sh.at[pl.ds(s * 640 + k * 128, sz)])
    base = wid * NCHUNK
    for i in range(4):
        pltpu.async_copy(cp_hbm.at[base + i], cbufs[i], csems[i])
        pltpu.async_copy(rp_hbm.at[base + i], rbufs[i], rsems[i])
    plsc.subcore_barrier()
    for j in range(2):
        pltpu.make_async_copy(cp_hbm.at[0], cbufs[j], csems[j]).wait()
        pltpu.async_copy(h_hbm.at[cbufs[j]], msgs[j], gsems[j])

    def body(k, carry):
        for j in range(4):
            kk = k * 4 + j
            m = j % 2
            j2 = (j + 2) % 4
            pltpu.make_async_copy(h_hbm.at[cbufs[j]], msgs[m], gsems[m]).wait()
            pltpu.make_async_copy(rp_hbm.at[0], rbufs[j], rsems[j]).wait()
            pltpu.sync_copy(msgs[m], acc_sh.at[rbufs[j]], add=True)

            @pl.when(kk + 4 < NCHUNK)
            def _():
                pltpu.async_copy(cp_hbm.at[base + kk + 4], cbufs[j], csems[j])
                pltpu.async_copy(rp_hbm.at[base + kk + 4], rbufs[j], rsems[j])

            @pl.when(kk + 2 < NCHUNK)
            def _():
                pltpu.make_async_copy(cp_hbm.at[0], cbufs[j2],
                                      csems[j2]).wait()
                pltpu.async_copy(h_hbm.at[cbufs[j2]], msgs[m], gsems[m])

        return carry

    lax.fori_loop(0, NCHUNK // 4, body, 0)
    plsc.subcore_barrier()
    for k, sz in _ZC5:
        r0 = s * 640 + k * 128
        pltpu.sync_copy(acc_sh.at[pl.ds(r0, sz)], out_hbm.at[c, pl.ds(r0, sz)])


def _mm_body(x_ref, w_ref, d0_ref, d1_ref, h_ref):
    deg = d0_ref[...] + d1_ref[...]
    dinv = jnp.where(deg > 0, lax.rsqrt(jnp.maximum(deg, 1e-12)), 0.0)
    h_ref[...] = jnp.dot(x_ref[...], w_ref[...],
                         preferred_element_type=jnp.float32) * dinv


def _fin_body(p0_ref, p1_ref, d0_ref, d1_ref, b_ref, o_ref):
    deg = d0_ref[...] + d1_ref[...]
    dinv = jnp.where(deg > 0, lax.rsqrt(jnp.maximum(deg, 1e-12)), 0.0)
    o_ref[...] = jnp.maximum((p0_ref[0] + p1_ref[0]) * dinv + b_ref[...],
                             0.0)


def kernel(x, edge_index, W, b):
    row = edge_index[0]
    col = edge_index[1]
    pad = E_PAD - E
    dummy = N + (jnp.arange(pad, dtype=jnp.int32) % (NSH - N))
    rp = jnp.concatenate([row, dummy])
    dummy_c = jnp.arange(pad, dtype=jnp.int32) % N
    cp = jnp.concatenate([col, dummy_c])
    rp2 = rp.reshape(NTILES * NCHUNK, CHUNK)
    cp2 = cp.reshape(NTILES * NCHUNK, CHUNK)
    z128 = jnp.zeros((CHUNK, D), jnp.float32)

    deg2 = _deg_call(rp2)
    d0 = deg2[0, :N].reshape(N, 1)
    d1 = deg2[1, :N].reshape(N, 1)

    h = pl.pallas_call(
        _mm_body,
        grid=(N // BR,),
        in_specs=[
            pl.BlockSpec((BR, D), lambda i: (i, 0)),
            pl.BlockSpec((D, D), lambda i: (0, 0)),
            pl.BlockSpec((BR, 1), lambda i: (i, 0)),
            pl.BlockSpec((BR, 1), lambda i: (i, 0)),
        ],
        out_specs=pl.BlockSpec((BR, D), lambda i: (i, 0)),
        out_shape=jax.ShapeDtypeStruct((N, D), jnp.float32),
    )(x, W, d0, d1)

    parts = _msg_call(cp2, rp2, h, z128)

    out = pl.pallas_call(
        _fin_body,
        grid=(N // BR,),
        in_specs=[
            pl.BlockSpec((1, BR, D), lambda i: (0, i, 0)),
            pl.BlockSpec((1, BR, D), lambda i: (1, i, 0)),
            pl.BlockSpec((BR, 1), lambda i: (i, 0)),
            pl.BlockSpec((BR, 1), lambda i: (i, 0)),
            pl.BlockSpec((1, D), lambda i: (0, 0)),
        ],
        out_specs=pl.BlockSpec((BR, D), lambda i: (i, 0)),
        out_shape=jax.ShapeDtypeStruct((N, D), jnp.float32),
    )(parts, parts, d0, d1, b.reshape(1, D))
    return out

# --- scband reference (transcript-rebuilt; emitter-appended) ---
"""Pipeline reference for scband-gconv-23046794510783 (READ-ONLY COPY).

The authoritative reference and input builder live on the scoring server;
editing this copy changes nothing except your own understanding.
"""

import jax, jax.numpy as jnp
import numpy as np

N = 10000
E = 320000
D_FEAT = 128
FILTERS = 128


def setup_inputs(seed: int = 0) -> dict:
    key = jax.random.key(seed)
    k1, k2, k3, k4 = jax.random.split(key, 4)
    x = jax.random.normal(k1, (N, D_FEAT), dtype=jnp.float32)
    edge_index = jax.random.randint(k2, (2, E), 0, N, dtype=jnp.int32)
    # he_normal init for kernel
    W = jax.random.normal(k3, (D_FEAT, FILTERS), dtype=jnp.float32) * np.sqrt(2.0 / D_FEAT)
    # 'random_normal' keras initializer (stddev=0.05)
    b = jax.random.normal(k4, (FILTERS,), dtype=jnp.float32) * 0.05
    return {"x": x, "edge_index": edge_index, "W": W, "b": b}


def reference(x, edge_index, W, b):
    row = edge_index[0]
    col = edge_index[1]
    # Degree from row sums of (implicitly binary) adjacency A, as in a.sum(axis=1)
    deg = jax.ops.segment_sum(jnp.ones((E,), dtype=jnp.float32), row, num_segments=N)
    # D.power(-0.5): zero entries stay zero in scipy sparse power
    d_inv_sqrt = jnp.where(deg > 0, jax.lax.rsqrt(jnp.maximum(deg, 1e-12)), 0.0)
    # x @ W
    h = jnp.dot(x, W)
    # L = D^{-1/2} A D^{-1/2};  (L h)_i = sum_{(i,j) in E} d_i^{-1/2} d_j^{-1/2} h_j
    norm = d_inv_sqrt[row] * d_inv_sqrt[col]
    msg = jnp.take(h, col, axis=0) * norm[:, None]
    out = jax.ops.segment_sum(msg, row, num_segments=N)
    out = out + b
    out = jax.nn.relu(out)
    return out

if __name__ == "__main__":
    import jax
    _d = setup_inputs()
    print(jax.jit(kernel)(*tuple(_d.values())))

</pallas_src>

<mosaic_0001>
#map = affine_map<(d0, d1) -> (0, 0)>
module attributes {stable_mosaic.version = 14 : i64} {
  func.func @_deg_call(%arg0: i32, %arg1: i32, %arg2: memref<2560x128xi32, #tpu.memory_space<hbm>>, %arg3: memref<2x10240xf32, #tpu.memory_space<hbm>>, %arg4: memref<80x128xi32, #tpu.memory_space<vmem>>, %arg5: memref<128xf32, #tpu.memory_space<vmem>>, %arg6: memref<640xf32, #tpu.memory_space<vmem>>, %arg7: memref<10240xf32, #tpu.memory_space<vmem_shared>>, %arg8: memref<!tpu.dma_semaphore, #tpu.memory_space<semaphore_mem>>) attributes {dimension_semantics = [#tpu.dimension_semantics<core_parallel>, #tpu.dimension_semantics<subcore_parallel>], iteration_bounds = array<i64: 2, 16>, scalar_prefetch = 0 : i64, scratch_operands = 5 : i64, tpu.core_type = #tpu.core_type<sc_vector_subcore>, window_params = [{transform_indices = #map}, {transform_indices = #map}]} {
    %mul3A = arith.constant 16 : i32
    %mul3A_0 = arith.muli %arg0, %mul3A : i32
    %add3A = arith.addi %mul3A_0, %arg1 : i32
    %broadcast_in_dim3A = arith.constant 1.000000e+00 : f32
    %broadcast_in_dim3A_1 = vector.broadcast %broadcast_in_dim3A : f32 to vector<16xf32>
    %swap3A = arith.constant 0 : index
    %swap3A_2 = tpu.vector_load %arg5[%swap3A] {strides = array<i32>} : memref<128xf32, #tpu.memory_space<vmem>>, vector<16xf32>,
    %swap3A_3 = vector.shape_cast %swap3A_2 : vector<16xf32> to vector<16xf32>
    %swap3A_4 = vector.shape_cast %broadcast_in_dim3A_1 : vector<16xf32> to vector<16xf32>
    tpu.vector_store %arg5[%swap3A], %swap3A_4 {strides = array<i32>} : memref<128xf32, #tpu.memory_space<vmem>>, vector<16xf32>,
    %broadcast_in_dim3A_5 = arith.constant 1.000000e+00 : f32
    %broadcast_in_dim3A_6 = vector.broadcast %broadcast_in_dim3A_5 : f32 to vector<16xf32>
    %swap3A_7 = arith.constant 16 : index
    %swap3A_8 = tpu.vector_load %arg5[%swap3A_7] {strides = array<i32>} : memref<128xf32, #tpu.memory_space<vmem>>, vector<16xf32>,
    %swap3A_9 = vector.shape_cast %swap3A_8 : vector<16xf32> to vector<16xf32>
    %swap3A_10 = vector.shape_cast %broadcast_in_dim3A_6 : vector<16xf32> to vector<16xf32>
    tpu.vector_store %arg5[%swap3A_7], %swap3A_10 {strides = array<i32>} : memref<128xf32, #tpu.memory_space<vmem>>, vector<16xf32>,
    %broadcast_in_dim3A_11 = arith.constant 1.000000e+00 : f32
    %broadcast_in_dim3A_12 = vector.broadcast %broadcast_in_dim3A_11 : f32 to vector<16xf32>
    %swap3A_13 = arith.constant 32 : index
    %swap3A_14 = tpu.vector_load %arg5[%swap3A_13] {strides = array<i32>} : memref<128xf32, #tpu.memory_space<vmem>>, vector<16xf32>,
    %swap3A_15 = vector.shape_cast %swap3A_14 : vector<16xf32> to vector<16xf32>
    %swap3A_16 = vector.shape_cast %broadcast_in_dim3A_12 : vector<16xf32> to vector<16xf32>
    tpu.vector_store %arg5[%swap3A_13], %swap3A_16 {strides = array<i32>} : memref<128xf32, #tpu.memory_space<vmem>>, vector<16xf32>,
    %broadcast_in_dim3A_17 = arith.constant 1.000000e+00 : f32
    %broadcast_in_dim3A_18 = vector.broadcast %broadcast_in_dim3A_17 : f32 to vector<16xf32>
    %swap3A_19 = arith.constant 48 : index
    %swap3A_20 = tpu.vector_load %arg5[%swap3A_19] {strides = array<i32>} : memref<128xf32, #tpu.memory_space<vmem>>, vector<16xf32>,
    %swap3A_21 = vector.shape_cast %swap3A_20 : vector<16xf32> to vector<16xf32>
    %swap3A_22 = vector.shape_cast %broadcast_in_dim3A_18 : vector<16xf32> to vector<16xf32>
    tpu.vector_store %arg5[%swap3A_19], %swap3A_22 {strides = array<i32>} : memref<128xf32, #tpu.memory_space<vmem>>, vector<16xf32>,
    %broadcast_in_dim3A_23 = arith.constant 1.000000e+00 : f32
    %broadcast_in_dim3A_24 = vector.broadcast %broadcast_in_dim3A_23 : f32 to vector<16xf32>
    %swap3A_25 = arith.constant 64 : index
    %swap3A_26 = tpu.vector_load %arg5[%swap3A_25] {strides = array<i32>} : memref<128xf32, #tpu.memory_space<vmem>>, vector<16xf32>,
    %swap3A_27 = vector.shape_cast %swap3A_26 : vector<16xf32> to vector<16xf32>
    %swap3A_28 = vector.shape_cast %broadcast_in_dim3A_24 : vector<16xf32> to vector<16xf32>
    tpu.vector_store %arg5[%swap3A_25], %swap3A_28 {strides = array<i32>} : memref<128xf32, #tpu.memory_space<vmem>>, vector<16xf32>,
    %broadcast_in_dim3A_29 = arith.constant 1.000000e+00 : f32
    %broadcast_in_dim3A_30 = vector.broadcast %broadcast_in_dim3A_29 : f32 to vector<16xf32>
    %swap3A_31 = arith.constant 80 : index
    %swap3A_32 = tpu.vector_load %arg5[%swap3A_31] {strides = array<i32>} : memref<128xf32, #tpu.memory_space<vmem>>, vector<16xf32>,
    %swap3A_33 = vector.shape_cast %swap3A_32 : vector<16xf32> to vector<16xf32>
    %swap3A_34 = vector.shape_cast %broadcast_in_dim3A_30 : vector<16xf32> to vector<16xf32>
    tpu.vector_store %arg5[%swap3A_31], %swap3A_34 {strides = array<i32>} : memref<128xf32, #tpu.memory_space<vmem>>, vector<16xf32>,
    %broadcast_in_dim3A_35 = arith.constant 1.000000e+00 : f32
    %broadcast_in_dim3A_36 = vector.broadcast %broadcast_in_dim3A_35 : f32 to vector<16xf32>
    %swap3A_37 = arith.constant 96 : index
    %swap3A_38 = tpu.vector_load %arg5[%swap3A_37] {strides = array<i32>} : memref<128xf32, #tpu.memory_space<vmem>>, vector<16xf32>,
    %swap3A_39 = vector.shape_cast %swap3A_38 : vector<16xf32> to vector<16xf32>
    %swap3A_40 = vector.shape_cast %broadcast_in_dim3A_36 : vector<16xf32> to vector<16xf32>
    tpu.vector_store %arg5[%swap3A_37], %swap3A_40 {strides = array<i32>} : memref<128xf32, #tpu.memory_space<vmem>>, vector<16xf32>,
    %broadcast_in_dim3A_41 = arith.constant 1.000000e+00 : f32
    %broadcast_in_dim3A_42 = vector.broadcast %broadcast_in_dim3A_41 : f32 to vector<16xf32>
    %swap3A_43 = arith.constant 112 : index
    %swap3A_44 = tpu.vector_load %arg5[%swap3A_43] {strides = array<i32>} : memref<128xf32, #tpu.memory_space<vmem>>, vector<16xf32>,
    %swap3A_45 = vector.shape_cast %swap3A_44 : vector<16xf32> to vector<16xf32>
    %swap3A_46 = vector.shape_cast %broadcast_in_dim3A_42 : vector<16xf32> to vector<16xf32>
    tpu.vector_store %arg5[%swap3A_43], %swap3A_46 {strides = array<i32>} : memref<128xf32, #tpu.memory_space<vmem>>, vector<16xf32>,
    %broadcast_in_dim3A_47 = arith.constant 0.000000e+00 : f32
    %broadcast_in_dim3A_48 = vector.broadcast %broadcast_in_dim3A_47 : f32 to vector<16xf32>
    %swap3A_49 = arith.constant 0 : index
    %swap3A_50 = tpu.vector_load %arg6[%swap3A_49] {strides = array<i32>} : memref<640xf32, #tpu.memory_space<vmem>>, vector<16xf32>,
    %swap3A_51 = vector.shape_cast %swap3A_50 : vector<16xf32> to vector<16xf32>
    %swap3A_52 = vector.shape_cast %broadcast_in_dim3A_48 : vector<16xf32> to vector<16xf32>
    tpu.vector_store %arg6[%swap3A_49], %swap3A_52 {strides = array<i32>} : memref<640xf32, #tpu.memory_space<vmem>>, vector<16xf32>,
    %broadcast_in_dim3A_53 = arith.constant 0.000000e+00 : f32
    %broadcast_in_dim3A_54 = vector.broadcast %broadcast_in_dim3A_53 : f32 to vector<16xf32>
    %swap3A_55 = arith.constant 16 : index
    %swap3A_56 = tpu.vector_load %arg6[%swap3A_55] {strides = array<i32>} : memref<640xf32, #tpu.memory_space<vmem>>, vector<16xf32>,
    %swap3A_57 = vector.shape_cast %swap3A_56 : vector<16xf32> to vector<16xf32>
    %swap3A_58 = vector.shape_cast %broadcast_in_dim3A_54 : vector<16xf32> to vector<16xf32>
    tpu.vector_store %arg6[%swap3A_55], %swap3A_58 {strides = array<i32>} : memref<640xf32, #tpu.memory_space<vmem>>, vector<16xf32>,
    %broadcast_in_dim3A_59 = arith.constant 0.000000e+00 : f32
    %broadcast_in_dim3A_60 = vector.broadcast %broadcast_in_dim3A_59 : f32 to vector<16xf32>
    %swap3A_61 = arith.constant 32 : index
    %swap3A_62 = tpu.vector_load %arg6[%swap3A_61] {strides = array<i32>} : memref<640xf32, #tpu.memory_space<vmem>>, vector<16xf32>,
    %swap3A_63 = vector.shape_cast %swap3A_62 : vector<16xf32> to vector<16xf32>
    %swap3A_64 = vector.shape_cast %broadcast_in_dim3A_60 : vector<16xf32> to vector<16xf32>
    tpu.vector_store %arg6[%swap3A_61], %swap3A_64 {strides = array<i32>} : memref<640xf32, #tpu.memory_space<vmem>>, vector<16xf32>,
    %broadcast_in_dim3A_65 = arith.constant 0.000000e+00 : f32
    %broadcast_in_dim3A_66 = vector.broadcast %broadcast_in_dim3A_65 : f32 to vector<16xf32>
    %swap3A_67 = arith.constant 48 : index
    %swap3A_68 = tpu.vector_load %arg6[%swap3A_67] {strides = array<i32>} : memref<640xf32, #tpu.memory_space<vmem>>, vector<16xf32>,
    %swap3A_69 = vector.shape_cast %swap3A_68 : vector<16xf32> to vector<16xf32>
    %swap3A_70 = vector.shape_cast %broadcast_in_dim3A_66 : vector<16xf32> to vector<16xf32>
    tpu.vector_store %arg6[%swap3A_67], %swap3A_70 {strides = array<i32>} : memref<640xf32, #tpu.memory_space<vmem>>, vector<16xf32>,
    %broadcast_in_dim3A_71 = arith.constant 0.000000e+00 : f32
    %broadcast_in_dim3A_72 = vector.broadcast %broadcast_in_dim3A_71 : f32 to vector<16xf32>
    %swap3A_73 = arith.constant 64 : index
    %swap3A_74 = tpu.vector_load %arg6[%swap3A_73] {strides = array<i32>} : memref<640xf32, #tpu.memory_space<vmem>>, vector<16xf32>,
    %swap3A_75 = vector.shape_cast %swap3A_74 : vector<16xf32> to vector<16xf32>
    %swap3A_76 = vector.shape_cast %broadcast_in_dim3A_72 : vector<16xf32> to vector<16xf32>
    tpu.vector_store %arg6[%swap3A_73], %swap3A_76 {strides = array<i32>} : memref<640xf32, #tpu.memory_space<vmem>>, vector<16xf32>,
    %broadcast_in_dim3A_77 = arith.constant 0.000000e+00 : f32
    %broadcast_in_dim3A_78 = vector.broadcast %broadcast_in_dim3A_77 : f32 to vector<16xf32>
    %swap3A_79 = arith.constant 80 : index
    %swap3A_80 = tpu.vector_load %arg6[%swap3A_79] {strides = array<i32>} : memref<640xf32, #tpu.memory_space<vmem>>, vector<16xf32>,
    %swap3A_81 = vector.shape_cast %swap3A_80 : vector<16xf32> to vector<16xf32>
    %swap3A_82 = vector.shape_cast %broadcast_in_dim3A_78 : vector<16xf32> to vector<16xf32>
    tpu.vector_store %arg6[%swap3A_79], %swap3A_82 {strides = array<i32>} : memref<640xf32, #tpu.memory_space<vmem>>, vector<16xf32>,
    %broadcast_in_dim3A_83 = arith.constant 0.000000e+00 : f32
    %broadcast_in_dim3A_84 = vector.broadcast %broadcast_in_dim3A_83 : f32 to vector<16xf32>
    %swap3A_85 = arith.constant 96 : index
    %swap3A_86 = tpu.vector_load %arg6[%swap3A_85] {strides = array<i32>} : memref<640xf32, #tpu.memory_space<vmem>>, vector<16xf32>,
    %swap3A_87 = vector.shape_cast %swap3A_86 : vector<16xf32> to vector<16xf32>
    %swap3A_88 = vector.shape_cast %broadcast_in_dim3A_84 : vector<16xf32> to vector<16xf32>
    tpu.vector_store %arg6[%swap3A_85], %swap3A_88 {strides = array<i32>} : memref<640xf32, #tpu.memory_space<vmem>>, vector<16xf32>,
    %broadcast_in_dim3A_89 = arith.constant 0.000000e+00 : f32
    %broadcast_in_dim3A_90 = vector.broadcast %broadcast_in_dim3A_89 : f32 to vector<16xf32>
    %swap3A_91 = arith.constant 112 : index
    %swap3A_92 = tpu.vector_load %arg6[%swap3A_91] {strides = array<i32>} : memref<640xf32, #tpu.memory_space<vmem>>, vector<16xf32>,
    %swap3A_93 = vector.shape_cast %swap3A_92 : vector<16xf32> to vector<16xf32>
    %swap3A_94 = vector.shape_cast %broadcast_in_dim3A_90 : vector<16xf32> to vector<16xf32>
    tpu.vector_store %arg6[%swap3A_91], %swap3A_94 {strides = array<i32>} : memref<640xf32, #tpu.memory_space<vmem>>, vector<16xf32>,
    %broadcast_in_dim3A_95 = arith.constant 0.000000e+00 : f32
    %broadcast_in_dim3A_96 = vector.broadcast %broadcast_in_dim3A_95 : f32 to vector<16xf32>
    %swap3A_97 = arith.constant 128 : index
    %swap3A_98 = tpu.vector_load %arg6[%swap3A_97] {strides = array<i32>} : memref<640xf32, #tpu.memory_space<vmem>>, vector<16xf32>,
    %swap3A_99 = vector.shape_cast %swap3A_98 : vector<16xf32> to vector<16xf32>
    %swap3A_100 = vector.shape_cast %broadcast_in_dim3A_96 : vector<16xf32> to vector<16xf32>
    tpu.vector_store %arg6[%swap3A_97], %swap3A_100 {strides = array<i32>} : memref<640xf32, #tpu.memory_space<vmem>>, vector<16xf32>,
    %broadcast_in_dim3A_101 = arith.constant 0.000000e+00 : f32
    %broadcast_in_dim3A_102 = vector.broadcast %broadcast_in_dim3A_101 : f32 to vector<16xf32>
    %swap3A_103 = arith.constant 144 : index
    %swap3A_104 = tpu.vector_load %arg6[%swap3A_103] {strides = array<i32>} : memref<640xf32, #tpu.memory_space<vmem>>, vector<16xf32>,
    %swap3A_105 = vector.shape_cast %swap3A_104 : vector<16xf32> to vector<16xf32>
    %swap3A_106 = vector.shape_cast %broadcast_in_dim3A_102 : vector<16xf32> to vector<16xf32>
    tpu.vector_store %arg6[%swap3A_103], %swap3A_106 {strides = array<i32>} : memref<640xf32, #tpu.memory_space<vmem>>, vector<16xf32>,
    %broadcast_in_dim3A_107 = arith.constant 0.000000e+00 : f32
    %broadcast_in_dim3A_108 = vector.broadcast %broadcast_in_dim3A_107 : f32 to vector<16xf32>
    %swap3A_109 = arith.constant 160 : index
    %swap3A_110 = tpu.vector_load %arg6[%swap3A_109] {strides = array<i32>} : memref<640xf32, #tpu.memory_space<vmem>>, vector<16xf32>,
    %swap3A_111 = vector.shape_cast %swap3A_110 : vector<16xf32> to vector<16xf32>
    %swap3A_112 = vector.shape_cast %broadcast_in_dim3A_108 : vector<16xf32> to vector<16xf32>
    tpu.vector_store %arg6[%swap3A_109], %swap3A_112 {strides = array<i32>} : memref<640xf32, #tpu.memory_space<vmem>>, vector<16xf32>,
    %broadcast_in_dim3A_113 = arith.constant 0.000000e+00 : f32
    %broadcast_in_dim3A_114 = vector.broadcast %broadcast_in_dim3A_113 : f32 to vector<16xf32>
    %swap3A_115 = arith.constant 176 : index
    %swap3A_116 = tpu.vector_load %arg6[%swap3A_115] {strides = array<i32>} : memref<640xf32, #tpu.memory_space<vmem>>, vector<16xf32>,
    %swap3A_117 = vector.shape_cast %swap3A_116 : vector<16xf32> to vector<16xf32>
    %swap3A_118 = vector.shape_cast %broadcast_in_dim3A_114 : vector<16xf32> to vector<16xf32>
    tpu.vector_store %arg6[%swap3A_115], %swap3A_118 {strides = array<i32>} : memref<640xf32, #tpu.memory_space<vmem>>, vector<16xf32>,
    %broadcast_in_dim3A_119 = arith.constant 0.000000e+00 : f32
    %broadcast_in_dim3A_120 = vector.broadcast %broadcast_in_dim3A_119 : f32 to vector<16xf32>
    %swap3A_121 = arith.constant 192 : index
    %swap3A_122 = tpu.vector_load %arg6[%swap3A_121] {strides = array<i32>} : memref<640xf32, #tpu.memory_space<vmem>>, vector<16xf32>,
    %swap3A_123 = vector.shape_cast %swap3A_122 : vector<16xf32> to vector<16xf32>
    %swap3A_124 = vector.shape_cast %broadcast_in_dim3A_120 : vector<16xf32> to vector<16xf32>
    tpu.vector_store %arg6[%swap3A_121], %swap3A_124 {strides = array<i32>} : memref<640xf32, #tpu.memory_space<vmem>>, vector<16xf32>,
    %broadcast_in_dim3A_125 = arith.constant 0.000000e+00 : f32
    %broadcast_in_dim3A_126 = vector.broadcast %broadcast_in_dim3A_125 : f32 to vector<16xf32>
    %swap3A_127 = arith.constant 208 : index
    %swap3A_128 = tpu.vector_load %arg6[%swap3A_127] {strides = array<i32>} : memref<640xf32, #tpu.memory_space<vmem>>, vector<16xf32>,
    %swap3A_129 = vector.shape_cast %swap3A_128 : vector<16xf32> to vector<16xf32>
    %swap3A_130 = vector.shape_cast %broadcast_in_dim3A_126 : vector<16xf32> to vector<16xf32>
    tpu.vector_store %arg6[%swap3A_127], %swap3A_130 {strides = array<i32>} : memref<640xf32, #tpu.memory_space<vmem>>, vector<16xf32>,
    %broadcast_in_dim3A_131 = arith.constant 0.000000e+00 : f32
    %broadcast_in_dim3A_132 = vector.broadcast %broadcast_in_dim3A_131 : f32 to vector<16xf32>
    %swap3A_133 = arith.constant 224 : index
    %swap3A_134 = tpu.vector_load %arg6[%swap3A_133] {strides = array<i32>} : memref<640xf32, #tpu.memory_space<vmem>>, vector<16xf32>,
    %swap3A_135 = vector.shape_cast %swap3A_134 : vector<16xf32> to vector<16xf32>
    %swap3A_136 = vector.shape_cast %broadcast_in_dim3A_132 : vector<16xf32> to vector<16xf32>
    tpu.vector_store %arg6[%swap3A_133], %swap3A_136 {strides = array<i32>} : memref<640xf32, #tpu.memory_space<vmem>>, vector<16xf32>,
    %broadcast_in_dim3A_137 = arith.constant 0.000000e+00 : f32
    %broadcast_in_dim3A_138 = vector.broadcast %broadcast_in_dim3A_137 : f32 to vector<16xf32>
    %swap3A_139 = arith.constant 240 : index
    %swap3A_140 = tpu.vector_load %arg6[%swap3A_139] {strides = array<i32>} : memref<640xf32, #tpu.memory_space<vmem>>, vector<16xf32>,
    %swap3A_141 = vector.shape_cast %swap3A_140 : vector<16xf32> to vector<16xf32>
    %swap3A_142 = vector.shape_cast %broadcast_in_dim3A_138 : vector<16xf32> to vector<16xf32>
    tpu.vector_store %arg6[%swap3A_139], %swap3A_142 {strides = array<i32>} : memref<640xf32, #tpu.memory_space<vmem>>, vector<16xf32>,
    %broadcast_in_dim3A_143 = arith.constant 0.000000e+00 : f32
    %broadcast_in_dim3A_144 = vector.broadcast %broadcast_in_dim3A_143 : f32 to vector<16xf32>
    %swap3A_145 = arith.constant 256 : index
    %swap3A_146 = tpu.vector_load %arg6[%swap3A_145] {strides = array<i32>} : memref<640xf32, #tpu.memory_space<vmem>>, vector<16xf32>,
    %swap3A_147 = vector.shape_cast %swap3A_146 : vector<16xf32> to vector<16xf32>
    %swap3A_148 = vector.shape_cast %broadcast_in_dim3A_144 : vector<16xf32> to vector<16xf32>
    tpu.vector_store %arg6[%swap3A_145], %swap3A_148 {strides = array<i32>} : memref<640xf32, #tpu.memory_space<vmem>>, vector<16xf32>,
    %broadcast_in_dim3A_149 = arith.constant 0.000000e+00 : f32
    %broadcast_in_dim3A_150 = vector.broadcast %broadcast_in_dim3A_149 : f32 to vector<16xf32>
    %swap3A_151 = arith.constant 272 : index
    %swap3A_152 = tpu.vector_load %arg6[%swap3A_151] {strides = array<i32>} : memref<640xf32, #tpu.memory_space<vmem>>, vector<16xf32>,
    %swap3A_153 = vector.shape_cast %swap3A_152 : vector<16xf32> to vector<16xf32>
    %swap3A_154 = vector.shape_cast %broadcast_in_dim3A_150 : vector<16xf32> to vector<16xf32>
    tpu.vector_store %arg6[%swap3A_151], %swap3A_154 {strides = array<i32>} : memref<640xf32, #tpu.memory_space<vmem>>, vector<16xf32>,
    %broadcast_in_dim3A_155 = arith.constant 0.000000e+00 : f32
    %broadcast_in_dim3A_156 = vector.broadcast %broadcast_in_dim3A_155 : f32 to vector<16xf32>
    %swap3A_157 = arith.constant 288 : index
    %swap3A_158 = tpu.vector_load %arg6[%swap3A_157] {strides = array<i32>} : memref<640xf32, #tpu.memory_space<vmem>>, vector<16xf32>,
    %swap3A_159 = vector.shape_cast %swap3A_158 : vector<16xf32> to vector<16xf32>
    %swap3A_160 = vector.shape_cast %broadcast_in_dim3A_156 : vector<16xf32> to vector<16xf32>
    tpu.vector_store %arg6[%swap3A_157], %swap3A_160 {strides = array<i32>} : memref<640xf32, #tpu.memory_space<vmem>>, vector<16xf32>,
    %broadcast_in_dim3A_161 = arith.constant 0.000000e+00 : f32
    %broadcast_in_dim3A_162 = vector.broadcast %broadcast_in_dim3A_161 : f32 to vector<16xf32>
    %swap3A_163 = arith.constant 304 : index
    %swap3A_164 = tpu.vector_load %arg6[%swap3A_163] {strides = array<i32>} : memref<640xf32, #tpu.memory_space<vmem>>, vector<16xf32>,
    %swap3A_165 = vector.shape_cast %swap3A_164 : vector<16xf32> to vector<16xf32>
    %swap3A_166 = vector.shape_cast %broadcast_in_dim3A_162 : vector<16xf32> to vector<16xf32>
    tpu.vector_store %arg6[%swap3A_163], %swap3A_166 {strides = array<i32>} : memref<640xf32, #tpu.memory_space<vmem>>, vector<16xf32>,
    %broadcast_in_dim3A_167 = arith.constant 0.000000e+00 : f32
    %broadcast_in_dim3A_168 = vector.broadcast %broadcast_in_dim3A_167 : f32 to vector<16xf32>
    %swap3A_169 = arith.constant 320 : index
    %swap3A_170 = tpu.vector_load %arg6[%swap3A_169] {strides = array<i32>} : memref<640xf32, #tpu.memory_space<vmem>>, vector<16xf32>,
    %swap3A_171 = vector.shape_cast %swap3A_170 : vector<16xf32> to vector<16xf32>
    %swap3A_172 = vector.shape_cast %broadcast_in_dim3A_168 : vector<16xf32> to vector<16xf32>
    tpu.vector_store %arg6[%swap3A_169], %swap3A_172 {strides = array<i32>} : memref<640xf32, #tpu.memory_space<vmem>>, vector<16xf32>,
    %broadcast_in_dim3A_173 = arith.constant 0.000000e+00 : f32
    %broadcast_in_dim3A_174 = vector.broadcast %broadcast_in_dim3A_173 : f32 to vector<16xf32>
    %swap3A_175 = arith.constant 336 : index
    %swap3A_176 = tpu.vector_load %arg6[%swap3A_175] {strides = array<i32>} : memref<640xf32, #tpu.memory_space<vmem>>, vector<16xf32>,
    %swap3A_177 = vector.shape_cast %swap3A_176 : vector<16xf32> to vector<16xf32>
    %swap3A_178 = vector.shape_cast %broadcast_in_dim3A_174 : vector<16xf32> to vector<16xf32>
    tpu.vector_store %arg6[%swap3A_175], %swap3A_178 {strides = array<i32>} : memref<640xf32, #tpu.memory_space<vmem>>, vector<16xf32>,
    %broadcast_in_dim3A_179 = arith.constant 0.000000e+00 : f32
    %broadcast_in_dim3A_180 = vector.broadcast %broadcast_in_dim3A_179 : f32 to vector<16xf32>
    %swap3A_181 = arith.constant 352 : index
    %swap3A_182 = tpu.vector_load %arg6[%swap3A_181] {strides = array<i32>} : memref<640xf32, #tpu.memory_space<vmem>>, vector<16xf32>,
    %swap3A_183 = vector.shape_cast %swap3A_182 : vector<16xf32> to vector<16xf32>
    %swap3A_184 = vector.shape_cast %broadcast_in_dim3A_180 : vector<16xf32> to vector<16xf32>
    tpu.vector_store %arg6[%swap3A_181], %swap3A_184 {strides = array<i32>} : memref<640xf32, #tpu.memory_space<vmem>>, vector<16xf32>,
    %broadcast_in_dim3A_185 = arith.constant 0.000000e+00 : f32
    %broadcast_in_dim3A_186 = vector.broadcast %broadcast_in_dim3A_185 : f32 to vector<16xf32>
    %swap3A_187 = arith.constant 368 : index
    %swap3A_188 = tpu.vector_load %arg6[%swap3A_187] {strides = array<i32>} : memref<640xf32, #tpu.memory_space<vmem>>, vector<16xf32>,
    %swap3A_189 = vector.shape_cast %swap3A_188 : vector<16xf32> to vector<16xf32>
    %swap3A_190 = vector.shape_cast %broadcast_in_dim3A_186 : vector<16xf32> to vector<16xf32>
    tpu.vector_store %arg6[%swap3A_187], %swap3A_190 {strides = array<i32>} : memref<640xf32, #tpu.memory_space<vmem>>, vector<16xf32>,
    %broadcast_in_dim3A_191 = arith.constant 0.000000e+00 : f32
    %broadcast_in_dim3A_192 = vector.broadcast %broadcast_in_dim3A_191 : f32 to vector<16xf32>
    %swap3A_193 = arith.constant 384 : index
    %swap3A_194 = tpu.vector_load %arg6[%swap3A_193] {strides = array<i32>} : memref<640xf32, #tpu.memory_space<vmem>>, vector<16xf32>,
    %swap3A_195 = vector.shape_cast %swap3A_194 : vector<16xf32> to vector<16xf32>
    %swap3A_196 = vector.shape_cast %broadcast_in_dim3A_192 : vector<16xf32> to vector<16xf32>
    tpu.vector_store %arg6[%swap3A_193], %swap3A_196 {strides = array<i32>} : memref<640xf32, #tpu.memory_space<vmem>>, vector<16xf32>,
    %broadcast_in_dim3A_197 = arith.constant 0.000000e+00 : f32
    %broadcast_in_dim3A_198 = vector.broadcast %broadcast_in_dim3A_197 : f32 to vector<16xf32>
    %swap3A_199 = arith.constant 400 : index
    %swap3A_200 = tpu.vector_load %arg6[%swap3A_199] {strides = array<i32>} : memref<640xf32, #tpu.memory_space<vmem>>, vector<16xf32>,
    %swap3A_201 = vector.shape_cast %swap3A_200 : vector<16xf32> to vector<16xf32>
    %swap3A_202 = vector.shape_cast %broadcast_in_dim3A_198 : vector<16xf32> to vector<16xf32>
    tpu.vector_store %arg6[%swap3A_199], %swap3A_202 {strides = array<i32>} : memref<640xf32, #tpu.memory_space<vmem>>, vector<16xf32>,
    %broadcast_in_dim3A_203 = arith.constant 0.000000e+00 : f32
    %broadcast_in_dim3A_204 = vector.broadcast %broadcast_in_dim3A_203 : f32 to vector<16xf32>
    %swap3A_205 = arith.constant 416 : index
    %swap3A_206 = tpu.vector_load %arg6[%swap3A_205] {strides = array<i32>} : memref<640xf32, #tpu.memory_space<vmem>>, vector<16xf32>,
    %swap3A_207 = vector.shape_cast %swap3A_206 : vector<16xf32> to vector<16xf32>
    %swap3A_208 = vector.shape_cast %broadcast_in_dim3A_204 : vector<16xf32> to vector<16xf32>
    tpu.vector_store %arg6[%swap3A_205], %swap3A_208 {strides = array<i32>} : memref<640xf32, #tpu.memory_space<vmem>>, vector<16xf32>,
    %broadcast_in_dim3A_209 = arith.constant 0.000000e+00 : f32
    %broadcast_in_dim3A_210 = vector.broadcast %broadcast_in_dim3A_209 : f32 to vector<16xf32>
    %swap3A_211 = arith.constant 432 : index
    %swap3A_212 = tpu.vector_load %arg6[%swap3A_211] {strides = array<i32>} : memref<640xf32, #tpu.memory_space<vmem>>, vector<16xf32>,
    %swap3A_213 = vector.shape_cast %swap3A_212 : vector<16xf32> to vector<16xf32>
    %swap3A_214 = vector.shape_cast %broadcast_in_dim3A_210 : vector<16xf32> to vector<16xf32>
    tpu.vector_store %arg6[%swap3A_211], %swap3A_214 {strides = array<i32>} : memref<640xf32, #tpu.memory_space<vmem>>, vector<16xf32>,
    %broadcast_in_dim3A_215 = arith.constant 0.000000e+00 : f32
    %broadcast_in_dim3A_216 = vector.broadcast %broadcast_in_dim3A_215 : f32 to vector<16xf32>
    %swap3A_217 = arith.constant 448 : index
    %swap3A_218 = tpu.vector_load %arg6[%swap3A_217] {strides = array<i32>} : memref<640xf32, #tpu.memory_space<vmem>>, vector<16xf32>,
    %swap3A_219 = vector.shape_cast %swap3A_218 : vector<16xf32> to vector<16xf32>
    %swap3A_220 = vector.shape_cast %broadcast_in_dim3A_216 : vector<16xf32> to vector<16xf32>
    tpu.vector_store %arg6[%swap3A_217], %swap3A_220 {strides = array<i32>} : memref<640xf32, #tpu.memory_space<vmem>>, vector<16xf32>,
    %broadcast_in_dim3A_221 = arith.constant 0.000000e+00 : f32
    %broadcast_in_dim3A_222 = vector.broadcast %broadcast_in_dim3A_221 : f32 to vector<16xf32>
    %swap3A_223 = arith.constant 464 : index
    %swap3A_224 = tpu.vector_load %arg6[%swap3A_223] {strides = array<i32>} : memref<640xf32, #tpu.memory_space<vmem>>, vector<16xf32>,
    %swap3A_225 = vector.shape_cast %swap3A_224 : vector<16xf32> to vector<16xf32>
    %swap3A_226 = vector.shape_cast %broadcast_in_dim3A_222 : vector<16xf32> to vector<16xf32>
    tpu.vector_store %arg6[%swap3A_223], %swap3A_226 {strides = array<i32>} : memref<640xf32, #tpu.memory_space<vmem>>, vector<16xf32>,
    %broadcast_in_dim3A_227 = arith.constant 0.000000e+00 : f32
    %broadcast_in_dim3A_228 = vector.broadcast %broadcast_in_dim3A_227 : f32 to vector<16xf32>
    %swap3A_229 = arith.constant 480 : index
    %swap3A_230 = tpu.vector_load %arg6[%swap3A_229] {strides = array<i32>} : memref<640xf32, #tpu.memory_space<vmem>>, vector<16xf32>,
    %swap3A_231 = vector.shape_cast %swap3A_230 : vector<16xf32> to vector<16xf32>
    %swap3A_232 = vector.shape_cast %broadcast_in_dim3A_228 : vector<16xf32> to vector<16xf32>
    tpu.vector_store %arg6[%swap3A_229], %swap3A_232 {strides = array<i32>} : memref<640xf32, #tpu.memory_space<vmem>>, vector<16xf32>,
    %broadcast_in_dim3A_233 = arith.constant 0.000000e+00 : f32
    %broadcast_in_dim3A_234 = vector.broadcast %broadcast_in_dim3A_233 : f32 to vector<16xf32>
    %swap3A_235 = arith.constant 496 : index
    %swap3A_236 = tpu.vector_load %arg6[%swap3A_235] {strides = array<i32>} : memref<640xf32, #tpu.memory_space<vmem>>, vector<16xf32>,
    %swap3A_237 = vector.shape_cast %swap3A_236 : vector<16xf32> to vector<16xf32>
    %swap3A_238 = vector.shape_cast %broadcast_in_dim3A_234 : vector<16xf32> to vector<16xf32>
    tpu.vector_store %arg6[%swap3A_235], %swap3A_238 {strides = array<i32>} : memref<640xf32, #tpu.memory_space<vmem>>, vector<16xf32>,
    %broadcast_in_dim3A_239 = arith.constant 0.000000e+00 : f32
    %broadcast_in_dim3A_240 = vector.broadcast %broadcast_in_dim3A_239 : f32 to vector<16xf32>
    %swap3A_241 = arith.constant 512 : index
    %swap3A_242 = tpu.vector_load %arg6[%swap3A_241] {strides = array<i32>} : memref<640xf32, #tpu.memory_space<vmem>>, vector<16xf32>,
    %swap3A_243 = vector.shape_cast %swap3A_242 : vector<16xf32> to vector<16xf32>
    %swap3A_244 = vector.shape_cast %broadcast_in_dim3A_240 : vector<16xf32> to vector<16xf32>
    tpu.vector_store %arg6[%swap3A_241], %swap3A_244 {strides = array<i32>} : memref<640xf32, #tpu.memory_space<vmem>>, vector<16xf32>,
    %broadcast_in_dim3A_245 = arith.constant 0.000000e+00 : f32
    %broadcast_in_dim3A_246 = vector.broadcast %broadcast_in_dim3A_245 : f32 to vector<16xf32>
    %swap3A_247 = arith.constant 528 : index
    %swap3A_248 = tpu.vector_load %arg6[%swap3A_247] {strides = array<i32>} : memref<640xf32, #tpu.memory_space<vmem>>, vector<16xf32>,
    %swap3A_249 = vector.shape_cast %swap3A_248 : vector<16xf32> to vector<16xf32>
    %swap3A_250 = vector.shape_cast %broadcast_in_dim3A_246 : vector<16xf32> to vector<16xf32>
    tpu.vector_store %arg6[%swap3A_247], %swap3A_250 {strides = array<i32>} : memref<640xf32, #tpu.memory_space<vmem>>, vector<16xf32>,
    %broadcast_in_dim3A_251 = arith.constant 0.000000e+00 : f32
    %broadcast_in_dim3A_252 = vector.broadcast %broadcast_in_dim3A_251 : f32 to vector<16xf32>
    %swap3A_253 = arith.constant 544 : index
    %swap3A_254 = tpu.vector_load %arg6[%swap3A_253] {strides = array<i32>} : memref<640xf32, #tpu.memory_space<vmem>>, vector<16xf32>,
    %swap3A_255 = vector.shape_cast %swap3A_254 : vector<16xf32> to vector<16xf32>
    %swap3A_256 = vector.shape_cast %broadcast_in_dim3A_252 : vector<16xf32> to vector<16xf32>
    tpu.vector_store %arg6[%swap3A_253], %swap3A_256 {strides = array<i32>} : memref<640xf32, #tpu.memory_space<vmem>>, vector<16xf32>,
    %broadcast_in_dim3A_257 = arith.constant 0.000000e+00 : f32
    %broadcast_in_dim3A_258 = vector.broadcast %broadcast_in_dim3A_257 : f32 to vector<16xf32>
    %swap3A_259 = arith.constant 560 : index
    %swap3A_260 = tpu.vector_load %arg6[%swap3A_259] {strides = array<i32>} : memref<640xf32, #tpu.memory_space<vmem>>, vector<16xf32>,
    %swap3A_261 = vector.shape_cast %swap3A_260 : vector<16xf32> to vector<16xf32>
    %swap3A_262 = vector.shape_cast %broadcast_in_dim3A_258 : vector<16xf32> to vector<16xf32>
    tpu.vector_store %arg6[%swap3A_259], %swap3A_262 {strides = array<i32>} : memref<640xf32, #tpu.memory_space<vmem>>, vector<16xf32>,
    %broadcast_in_dim3A_263 = arith.constant 0.000000e+00 : f32
    %broadcast_in_dim3A_264 = vector.broadcast %broadcast_in_dim3A_263 : f32 to vector<16xf32>
    %swap3A_265 = arith.constant 576 : index
    %swap3A_266 = tpu.vector_load %arg6[%swap3A_265] {strides = array<i32>} : memref<640xf32, #tpu.memory_space<vmem>>, vector<16xf32>,
    %swap3A_267 = vector.shape_cast %swap3A_266 : vector<16xf32> to vector<16xf32>
    %swap3A_268 = vector.shape_cast %broadcast_in_dim3A_264 : vector<16xf32> to vector<16xf32>
    tpu.vector_store %arg6[%swap3A_265], %swap3A_268 {strides = array<i32>} : memref<640xf32, #tpu.memory_space<vmem>>, vector<16xf32>,
    %broadcast_in_dim3A_269 = arith.constant 0.000000e+00 : f32
    %broadcast_in_dim3A_270 = vector.broadcast %broadcast_in_dim3A_269 : f32 to vector<16xf32>
    %swap3A_271 = arith.constant 592 : index
    %swap3A_272 = tpu.vector_load %arg6[%swap3A_271] {strides = array<i32>} : memref<640xf32, #tpu.memory_space<vmem>>, vector<16xf32>,
    %swap3A_273 = vector.shape_cast %swap3A_272 : vector<16xf32> to vector<16xf32>
    %swap3A_274 = vector.shape_cast %broadcast_in_dim3A_270 : vector<16xf32> to vector<16xf32>
    tpu.vector_store %arg6[%swap3A_271], %swap3A_274 {strides = array<i32>} : memref<640xf32, #tpu.memory_space<vmem>>, vector<16xf32>,
    %broadcast_in_dim3A_275 = arith.constant 0.000000e+00 : f32
    %broadcast_in_dim3A_276 = vector.broadcast %broadcast_in_dim3A_275 : f32 to vector<16xf32>
    %swap3A_277 = arith.constant 608 : index
    %swap3A_278 = tpu.vector_load %arg6[%swap3A_277] {strides = array<i32>} : memref<640xf32, #tpu.memory_space<vmem>>, vector<16xf32>,
    %swap3A_279 = vector.shape_cast %swap3A_278 : vector<16xf32> to vector<16xf32>
    %swap3A_280 = vector.shape_cast %broadcast_in_dim3A_276 : vector<16xf32> to vector<16xf32>
    tpu.vector_store %arg6[%swap3A_277], %swap3A_280 {strides = array<i32>} : memref<640xf32, #tpu.memory_space<vmem>>, vector<16xf32>,
    %broadcast_in_dim3A_281 = arith.constant 0.000000e+00 : f32
    %broadcast_in_dim3A_282 = vector.broadcast %broadcast_in_dim3A_281 : f32 to vector<16xf32>
    %swap3A_283 = arith.constant 624 : index
    %swap3A_284 = tpu.vector_load %arg6[%swap3A_283] {strides = array<i32>} : memref<640xf32, #tpu.memory_space<vmem>>, vector<16xf32>,
    %swap3A_285 = vector.shape_cast %swap3A_284 : vector<16xf32> to vector<16xf32>
    %swap3A_286 = vector.shape_cast %broadcast_in_dim3A_282 : vector<16xf32> to vector<16xf32>
    tpu.vector_store %arg6[%swap3A_283], %swap3A_286 {strides = array<i32>} : memref<640xf32, #tpu.memory_space<vmem>>, vector<16xf32>,
    %mul3A_287 = arith.constant 640 : i32
    %mul3A_288 = arith.muli %arg1, %mul3A_287 : i32
    "tpu.region"() ({
      %run_scoped3A = tpu.sem_alloc : memref<!tpu.dma_semaphore, #tpu.memory_space<semaphore_mem>>
      %dma_start3A = tpu.memref_slice %arg7[%mul3A_288] : memref<10240xf32, #tpu.memory_space<vmem_shared>> -> memref<640xf32, #tpu.memory_space<vmem_shared>>
      %dma_start3A_301 = tpu.memref_slice %arg7[%mul3A_288] : memref<10240xf32, #tpu.memory_space<vmem_shared>> -> memref<640xf32, #tpu.memory_space<vmem_shared>>
      tpu.enqueue_dma source(%arg6 : memref<640xf32, #tpu.memory_space<vmem>>) target(%dma_start3A_301 : memref<640xf32, #tpu.memory_space<vmem_shared>>) target_semaphore(%run_scoped3A : memref<!tpu.dma_semaphore, #tpu.memory_space<semaphore_mem>>)
      %dma_wait3A = tpu.memref_slice %arg7[%mul3A_288] : memref<10240xf32, #tpu.memory_space<vmem_shared>> -> memref<640xf32, #tpu.memory_space<vmem_shared>>
      %dma_wait3A_302 = tpu.memref_slice %arg7[%mul3A_288] : memref<10240xf32, #tpu.memory_space<vmem_shared>> -> memref<640xf32, #tpu.memory_space<vmem_shared>>
      tpu.wait_dma2 semaphore(%run_scoped3A : memref<!tpu.dma_semaphore, #tpu.memory_space<semaphore_mem>>) src(%arg6 : memref<640xf32, #tpu.memory_space<vmem>>) dst(%dma_wait3A_302 : memref<640xf32, #tpu.memory_space<vmem_shared>>)
      tpu.yield
    }) : () -> ()
    %mul3A_289 = arith.constant 80 : i32
    %mul3A_290 = arith.muli %add3A, %mul3A_289 : i32
    "tpu.region"() ({
      %run_scoped3A = tpu.sem_alloc : memref<!tpu.dma_semaphore, #tpu.memory_space<semaphore_mem>>
      %dma_start3A = arith.constant 0 : i32
      %dma_start3A_301 = tpu.memref_slice %arg2[%mul3A_290, %dma_start3A] : memref<2560x128xi32, #tpu.memory_space<hbm>> -> memref<80x128xi32, #tpu.memory_space<hbm>>
      %dma_start3A_302 = arith.constant 0 : i32
      %dma_start3A_303 = tpu.memref_slice %arg2[%mul3A_290, %dma_start3A_302] : memref<2560x128xi32, #tpu.memory_space<hbm>> -> memref<80x128xi32, #tpu.memory_space<hbm>>
      tpu.enqueue_dma source(%dma_start3A_303 : memref<80x128xi32, #tpu.memory_space<hbm>>) target(%arg4 : memref<80x128xi32, #tpu.memory_space<vmem>>) target_semaphore(%run_scoped3A : memref<!tpu.dma_semaphore, #tpu.memory_space<semaphore_mem>>)
      %dma_wait3A = arith.constant 0 : i32
      %dma_wait3A_304 = tpu.memref_slice %arg2[%mul3A_290, %dma_wait3A] : memref<2560x128xi32, #tpu.memory_space<hbm>> -> memref<80x128xi32, #tpu.memory_space<hbm>>
      %dma_wait3A_305 = arith.constant 0 : i32
      %dma_wait3A_306 = tpu.memref_slice %arg2[%mul3A_290, %dma_wait3A_305] : memref<2560x128xi32, #tpu.memory_space<hbm>> -> memref<80x128xi32, #tpu.memory_space<hbm>>
      tpu.wait_dma2 semaphore(%run_scoped3A : memref<!tpu.dma_semaphore, #tpu.memory_space<semaphore_mem>>) src(%dma_wait3A_306 : memref<80x128xi32, #tpu.memory_space<hbm>>) dst(%arg4 : memref<80x128xi32, #tpu.memory_space<vmem>>)
      tpu.yield
    }) : () -> ()
    %barrier3A = arith.constant 0 : index
    tpu.barrier barrier_id(%barrier3A)
    %scan3A = arith.constant 0 : i32
    %scan3A_291 = arith.constant 0 : i32
    %scan3A_292 = arith.constant 80 : i32
    %scan3A_293 = arith.addi %scan3A_291, %scan3A_292 : i32
    %scan3A_294 = arith.constant 1 : i32
    scf.for %scan3A_301 = %scan3A_291 to %scan3A_293 step %scan3A_294  : i32 {
      "tpu.region"() ({
        %run_scoped3A = tpu.sem_alloc : memref<!tpu.dma_semaphore, #tpu.memory_space<semaphore_mem>>
        %dma_start3A = arith.constant 0 : i32
        %dma_start3A_302 = tpu.memref_slice %arg4[%scan3A_301, %dma_start3A] : memref<80x128xi32, #tpu.memory_space<vmem>> -> memref<1x128xi32, #tpu.memory_space<vmem>>
        %dma_start3A_303 = tpu.memref_squeeze %dma_start3A_302 : memref<1x128xi32, #tpu.memory_space<vmem>> -> memref<128xi32, #tpu.memory_space<vmem>>
        %dma_start3A_304 = arith.constant 0 : i32
        %dma_start3A_305 = tpu.memref_slice %arg7[%dma_start3A_304] : memref<10240xf32, #tpu.memory_space<vmem_shared>> -> memref<10240xf32, #tpu.memory_space<vmem_shared>>
        tpu.enqueue_indirect_dma source(%arg5 : memref<128xf32, #tpu.memory_space<vmem>>) target(%dma_start3A_305 : memref<10240xf32, #tpu.memory_space<vmem_shared>>) offsets(%dma_start3A_303 : memref<128xi32, #tpu.memory_space<vmem>>) semaphore(%run_scoped3A : memref<!tpu.dma_semaphore, #tpu.memory_space<semaphore_mem>>) {add = true}
        %dma_wait3A = arith.constant 0 : i32
        %dma_wait3A_306 = tpu.memref_slice %arg4[%scan3A_301, %dma_wait3A] : memref<80x128xi32, #tpu.memory_space<vmem>> -> memref<1x128xi32, #tpu.memory_space<vmem>>
        %dma_wait3A_307 = tpu.memref_squeeze %dma_wait3A_306 : memref<1x128xi32, #tpu.memory_space<vmem>> -> memref<128xi32, #tpu.memory_space<vmem>>
        %dma_wait3A_308 = arith.constant 0 : i32
        %dma_wait3A_309 = tpu.memref_slice %arg7[%dma_wait3A_308] : memref<10240xf32, #tpu.memory_space<vmem_shared>> -> memref<10240xf32, #tpu.memory_space<vmem_shared>>
        tpu.wait_indirect_dma semaphore(%run_scoped3A : memref<!tpu.dma_semaphore, #tpu.memory_space<semaphore_mem>>) src(%arg5 : memref<128xf32, #tpu.memory_space<vmem>>) dst(%dma_wait3A_309 : memref<10240xf32, #tpu.memory_space<vmem_shared>>)
        tpu.yield
      }) : () -> ()
    }
    %scan3A_295 = arith.constant 80 : i32
    %barrier3A_296 = arith.constant 0 : index
    tpu.barrier barrier_id(%barrier3A_296)
    %mul3A_297 = arith.constant 640 : i32
    %mul3A_298 = arith.muli %arg1, %mul3A_297 : i32
    %mul3A_299 = arith.constant 640 : i32
    %mul3A_300 = arith.muli %arg1, %mul3A_299 : i32
    "tpu.region"() ({
      %run_scoped3A = tpu.sem_alloc : memref<!tpu.dma_semaphore, #tpu.memory_space<semaphore_mem>>
      %dma_start3A = tpu.memref_slice %arg3[%arg0, %mul3A_300] : memref<2x10240xf32, #tpu.memory_space<hbm>> -> memref<1x640xf32, #tpu.memory_space<hbm>>
      %dma_start3A_301 = tpu.memref_squeeze %dma_start3A : memref<1x640xf32, #tpu.memory_space<hbm>> -> memref<640xf32, #tpu.memory_space<hbm>>
      %dma_start3A_302 = tpu.memref_slice %arg7[%mul3A_298] : memref<10240xf32, #tpu.memory_space<vmem_shared>> -> memref<640xf32, #tpu.memory_space<vmem_shared>>
      tpu.enqueue_dma source(%dma_start3A_302 : memref<640xf32, #tpu.memory_space<vmem_shared>>) target(%dma_start3A_301 : memref<640xf32, #tpu.memory_space<hbm>>) target_semaphore(%run_scoped3A : memref<!tpu.dma_semaphore, #tpu.memory_space<semaphore_mem>>)
      %dma_wait3A = tpu.memref_slice %arg3[%arg0, %mul3A_300] : memref<2x10240xf32, #tpu.memory_space<hbm>> -> memref<1x640xf32, #tpu.memory_space<hbm>>
      %dma_wait3A_303 = tpu.memref_squeeze %dma_wait3A : memref<1x640xf32, #tpu.memory_space<hbm>> -> memref<640xf32, #tpu.memory_space<hbm>>
      %dma_wait3A_304 = tpu.memref_slice %arg7[%mul3A_298] : memref<10240xf32, #tpu.memory_space<vmem_shared>> -> memref<640xf32, #tpu.memory_space<vmem_shared>>
      tpu.wait_dma2 semaphore(%run_scoped3A : memref<!tpu.dma_semaphore, #tpu.memory_space<semaphore_mem>>) src(%dma_wait3A_304 : memref<640xf32, #tpu.memory_space<vmem_shared>>) dst(%dma_wait3A_303 : memref<640xf32, #tpu.memory_space<hbm>>)
      tpu.yield
    }) : () -> ()
    return
  }
}

#map = affine_map<(d0, d1) -> (0, 0)>
#map1 = affine_map<(d0, d1) -> (0, 0, 0)>
module attributes {stable_mosaic.version = 14 : i64} {
  func.func @_msg_call(%arg0: i32, %arg1: i32, %arg2: memref<2560x128xi32, #tpu.memory_space<hbm>>, %arg3: memref<2560x128xi32, #tpu.memory_space<hbm>>, %arg4: memref<10000x128xf32, #tpu.memory_space<hbm>>, %arg5: memref<128x128xf32, #tpu.memory_space<hbm>>, %arg6: memref<2x10240x128xf32, #tpu.memory_space<hbm>>, %arg7: memref<128xi32, #tpu.memory_space<vmem>>, %arg8: memref<128xi32, #tpu.memory_space<vmem>>, %arg9: memref<128xi32, #tpu.memory_space<vmem>>, %arg10: memref<128xi32, #tpu.memory_space<vmem>>, %arg11: memref<128xi32, #tpu.memory_space<vmem>>, %arg12: memref<128xi32, #tpu.memory_space<vmem>>, %arg13: memref<128xi32, #tpu.memory_space<vmem>>, %arg14: memref<128xi32, #tpu.memory_space<vmem>>, %arg15: memref<128x128xf32, #tpu.memory_space<vmem>>, %arg16: memref<128x128xf32, #tpu.memory_space<vmem>>, %arg17: memref<10240x128xf32, #tpu.memory_space<vmem_shared>>, %arg18: memref<!tpu.dma_semaphore, #tpu.memory_space<semaphore_mem>>, %arg19: memref<!tpu.dma_semaphore, #tpu.memory_space<semaphore_mem>>, %arg20: memref<!tpu.dma_semaphore, #tpu.memory_space<semaphore_mem>>, %arg21: memref<!tpu.dma_semaphore, #tpu.memory_space<semaphore_mem>>, %arg22: memref<!tpu.dma_semaphore, #tpu.memory_space<semaphore_mem>>, %arg23: memref<!tpu.dma_semaphore, #tpu.memory_space<semaphore_mem>>, %arg24: memref<!tpu.dma_semaphore, #tpu.memory_space<semaphore_mem>>, %arg25: memref<!tpu.dma_semaphore, #tpu.memory_space<semaphore_mem>>, %arg26: memref<!tpu.dma_semaphore, #tpu.memory_space<semaphore_mem>>, %arg27: memref<!tpu.dma_semaphore, #tpu.memory_space<semaphore_mem>>) attributes {dimension_semantics = [#tpu.dimension_semantics<core_parallel>, #tpu.dimension_semantics<subcore_parallel>], iteration_bounds = array<i64: 2, 16>, scalar_prefetch = 0 : i64, scratch_operands = 21 : i64, tpu.core_type = #tpu.core_type<sc_vector_subcore>, window_params = [{transform_indices = #map}, {transform_indices = #map}, {transform_indices = #map}, {transform_indices = #map}, {transform_indices = #map1}]} {
    %mul3A = arith.constant 16 : i32
    %mul3A_0 = arith.muli %arg0, %mul3A : i32
    %add3A = arith.addi %mul3A_0, %arg1 : i32
    %mul3A_1 = arith.constant 640 : i32
    %mul3A_2 = arith.muli %arg1, %mul3A_1 : i32
    %add3A_3 = arith.constant 0 : i32
    %add3A_4 = arith.addi %mul3A_2, %add3A_3 : i32
    "tpu.region"() ({
      %run_scoped3A = tpu.sem_alloc : memref<!tpu.dma_semaphore, #tpu.memory_space<semaphore_mem>>
      %dma_start3A_131 = arith.constant 0 : i32
      %dma_start3A_132 = tpu.memref_slice %arg17[%add3A_4, %dma_start3A_131] : memref<10240x128xf32, #tpu.memory_space<vmem_shared>> -> memref<128x128xf32, #tpu.memory_space<vmem_shared>>
      %dma_start3A_133 = arith.constant 0 : i32
      %dma_start3A_134 = arith.constant 0 : i32
      %dma_start3A_135 = tpu.memref_slice %arg5[%dma_start3A_133, %dma_start3A_134] : memref<128x128xf32, #tpu.memory_space<hbm>> -> memref<128x128xf32, #tpu.memory_space<hbm>>
      tpu.enqueue_dma source(%dma_start3A_135 : memref<128x128xf32, #tpu.memory_space<hbm>>) target(%dma_start3A_132 : memref<128x128xf32, #tpu.memory_space<vmem_shared>>) target_semaphore(%run_scoped3A : memref<!tpu.dma_semaphore, #tpu.memory_space<semaphore_mem>>)
      %dma_wait3A_136 = arith.constant 0 : i32
      %dma_wait3A_137 = tpu.memref_slice %arg17[%add3A_4, %dma_wait3A_136] : memref<10240x128xf32, #tpu.memory_space<vmem_shared>> -> memref<128x128xf32, #tpu.memory_space<vmem_shared>>
      %dma_wait3A_138 = arith.constant 0 : i32
      %dma_wait3A_139 = arith.constant 0 : i32
      %dma_wait3A_140 = tpu.memref_slice %arg5[%dma_wait3A_138, %dma_wait3A_139] : memref<128x128xf32, #tpu.memory_space<hbm>> -> memref<128x128xf32, #tpu.memory_space<hbm>>
      tpu.wait_dma2 semaphore(%run_scoped3A : memref<!tpu.dma_semaphore, #tpu.memory_space<semaphore_mem>>) src(%dma_wait3A_140 : memref<128x128xf32, #tpu.memory_space<hbm>>) dst(%dma_wait3A_137 : memref<128x128xf32, #tpu.memory_space<vmem_shared>>)
      tpu.yield
    }) : () -> ()
    %mul3A_5 = arith.constant 640 : i32
    %mul3A_6 = arith.muli %arg1, %mul3A_5 : i32
    %add3A_7 = arith.constant 128 : i32
    %add3A_8 = arith.addi %mul3A_6, %add3A_7 : i32
    "tpu.region"() ({
      %run_scoped3A = tpu.sem_alloc : memref<!tpu.dma_semaphore, #tpu.memory_space<semaphore_mem>>
      %dma_start3A_131 = arith.constant 0 : i32
      %dma_start3A_132 = tpu.memref_slice %arg17[%add3A_8, %dma_start3A_131] : memref<10240x128xf32, #tpu.memory_space<vmem_shared>> -> memref<128x128xf32, #tpu.memory_space<vmem_shared>>
      %dma_start3A_133 = arith.constant 0 : i32
      %dma_start3A_134 = arith.constant 0 : i32
      %dma_start3A_135 = tpu.memref_slice %arg5[%dma_start3A_133, %dma_start3A_134] : memref<128x128xf32, #tpu.memory_space<hbm>> -> memref<128x128xf32, #tpu.memory_space<hbm>>
      tpu.enqueue_dma source(%dma_start3A_135 : memref<128x128xf32, #tpu.memory_space<hbm>>) target(%dma_start3A_132 : memref<128x128xf32, #tpu.memory_space<vmem_shared>>) target_semaphore(%run_scoped3A : memref<!tpu.dma_semaphore, #tpu.memory_space<semaphore_mem>>)
      %dma_wait3A_136 = arith.constant 0 : i32
      %dma_wait3A_137 = tpu.memref_slice %arg17[%add3A_8, %dma_wait3A_136] : memref<10240x128xf32, #tpu.memory_space<vmem_shared>> -> memref<128x128xf32, #tpu.memory_space<vmem_shared>>
      %dma_wait3A_138 = arith.constant 0 : i32
      %dma_wait3A_139 = arith.constant 0 : i32
      %dma_wait3A_140 = tpu.memref_slice %arg5[%dma_wait3A_138, %dma_wait3A_139] : memref<128x128xf32, #tpu.memory_space<hbm>> -> memref<128x128xf32, #tpu.memory_space<hbm>>
      tpu.wait_dma2 semaphore(%run_scoped3A : memref<!tpu.dma_semaphore, #tpu.memory_space<semaphore_mem>>) src(%dma_wait3A_140 : memref<128x128xf32, #tpu.memory_space<hbm>>) dst(%dma_wait3A_137 : memref<128x128xf32, #tpu.memory_space<vmem_shared>>)
      tpu.yield
    }) : () -> ()
    %mul3A_9 = arith.constant 640 : i32
    %mul3A_10 = arith.muli %arg1, %mul3A_9 : i32
    %add3A_11 = arith.constant 256 : i32
    %add3A_12 = arith.addi %mul3A_10, %add3A_11 : i32
    "tpu.region"() ({
      %run_scoped3A = tpu.sem_alloc : memref<!tpu.dma_semaphore, #tpu.memory_space<semaphore_mem>>
      %dma_start3A_131 = arith.constant 0 : i32
      %dma_start3A_132 = tpu.memref_slice %arg17[%add3A_12, %dma_start3A_131] : memref<10240x128xf32, #tpu.memory_space<vmem_shared>> -> memref<128x128xf32, #tpu.memory_space<vmem_shared>>
      %dma_start3A_133 = arith.constant 0 : i32
      %dma_start3A_134 = arith.constant 0 : i32
      %dma_start3A_135 = tpu.memref_slice %arg5[%dma_start3A_133, %dma_start3A_134] : memref<128x128xf32, #tpu.memory_space<hbm>> -> memref<128x128xf32, #tpu.memory_space<hbm>>
      tpu.enqueue_dma source(%dma_start3A_135 : memref<128x128xf32, #tpu.memory_space<hbm>>) target(%dma_start3A_132 : memref<128x128xf32, #tpu.memory_space<vmem_shared>>) target_semaphore(%run_scoped3A : memref<!tpu.dma_semaphore, #tpu.memory_space<semaphore_mem>>)
      %dma_wait3A_136 = arith.constant 0 : i32
      %dma_wait3A_137 = tpu.memref_slice %arg17[%add3A_12, %dma_wait3A_136] : memref<10240x128xf32, #tpu.memory_space<vmem_shared>> -> memref<128x128xf32, #tpu.memory_space<vmem_shared>>
      %dma_wait3A_138 = arith.constant 0 : i32
      %dma_wait3A_139 = arith.constant 0 : i32
      %dma_wait3A_140 = tpu.memref_slice %arg5[%dma_wait3A_138, %dma_wait3A_139] : memref<128x128xf32, #tpu.memory_space<hbm>> -> memref<128x128xf32, #tpu.memory_space<hbm>>
      tpu.wait_dma2 semaphore(%run_scoped3A : memref<!tpu.dma_semaphore, #tpu.memory_space<semaphore_mem>>) src(%dma_wait3A_140 : memref<128x128xf32, #tpu.memory_space<hbm>>) dst(%dma_wait3A_137 : memref<128x128xf32, #tpu.memory_space<vmem_shared>>)
      tpu.yield
    }) : () -> ()
    %mul3A_13 = arith.constant 640 : i32
    %mul3A_14 = arith.muli %arg1, %mul3A_13 : i32
    %add3A_15 = arith.constant 384 : i32
    %add3A_16 = arith.addi %mul3A_14, %add3A_15 : i32
    "tpu.region"() ({
      %run_scoped3A = tpu.sem_alloc : memref<!tpu.dma_semaphore, #tpu.memory_space<semaphore_mem>>
      %dma_start3A_131 = arith.constant 0 : i32
      %dma_start3A_132 = tpu.memref_slice %arg17[%add3A_16, %dma_start3A_131] : memref<10240x128xf32, #tpu.memory_space<vmem_shared>> -> memref<128x128xf32, #tpu.memory_space<vmem_shared>>
      %dma_start3A_133 = arith.constant 0 : i32
      %dma_start3A_134 = arith.constant 0 : i32
      %dma_start3A_135 = tpu.memref_slice %arg5[%dma_start3A_133, %dma_start3A_134] : memref<128x128xf32, #tpu.memory_space<hbm>> -> memref<128x128xf32, #tpu.memory_space<hbm>>
      tpu.enqueue_dma source(%dma_start3A_135 : memref<128x128xf32, #tpu.memory_space<hbm>>) target(%dma_start3A_132 : memref<128x128xf32, #tpu.memory_space<vmem_shared>>) target_semaphore(%run_scoped3A : memref<!tpu.dma_semaphore, #tpu.memory_space<semaphore_mem>>)
      %dma_wait3A_136 = arith.constant 0 : i32
      %dma_wait3A_137 = tpu.memref_slice %arg17[%add3A_16, %dma_wait3A_136] : memref<10240x128xf32, #tpu.memory_space<vmem_shared>> -> memref<128x128xf32, #tpu.memory_space<vmem_shared>>
      %dma_wait3A_138 = arith.constant 0 : i32
      %dma_wait3A_139 = arith.constant 0 : i32
      %dma_wait3A_140 = tpu.memref_slice %arg5[%dma_wait3A_138, %dma_wait3A_139] : memref<128x128xf32, #tpu.memory_space<hbm>> -> memref<128x128xf32, #tpu.memory_space<hbm>>
      tpu.wait_dma2 semaphore(%run_scoped3A : memref<!tpu.dma_semaphore, #tpu.memory_space<semaphore_mem>>) src(%dma_wait3A_140 : memref<128x128xf32, #tpu.memory_space<hbm>>) dst(%dma_wait3A_137 : memref<128x128xf32, #tpu.memory_space<vmem_shared>>)
      tpu.yield
    }) : () -> ()
    %mul3A_17 = arith.constant 640 : i32
    %mul3A_18 = arith.muli %arg1, %mul3A_17 : i32
    %add3A_19 = arith.constant 512 : i32
    %add3A_20 = arith.addi %mul3A_18, %add3A_19 : i32
    "tpu.region"() ({
      %run_scoped3A = tpu.sem_alloc : memref<!tpu.dma_semaphore, #tpu.memory_space<semaphore_mem>>
      %dma_start3A_131 = arith.constant 0 : i32
      %dma_start3A_132 = tpu.memref_slice %arg17[%add3A_20, %dma_start3A_131] : memref<10240x128xf32, #tpu.memory_space<vmem_shared>> -> memref<128x128xf32, #tpu.memory_space<vmem_shared>>
      %dma_start3A_133 = arith.constant 0 : i32
      %dma_start3A_134 = arith.constant 0 : i32
      %dma_start3A_135 = tpu.memref_slice %arg5[%dma_start3A_133, %dma_start3A_134] : memref<128x128xf32, #tpu.memory_space<hbm>> -> memref<128x128xf32, #tpu.memory_space<hbm>>
      tpu.enqueue_dma source(%dma_start3A_135 : memref<128x128xf32, #tpu.memory_space<hbm>>) target(%dma_start3A_132 : memref<128x128xf32, #tpu.memory_space<vmem_shared>>) target_semaphore(%run_scoped3A : memref<!tpu.dma_semaphore, #tpu.memory_space<semaphore_mem>>)
      %dma_wait3A_136 = arith.constant 0 : i32
      %dma_wait3A_137 = tpu.memref_slice %arg17[%add3A_20, %dma_wait3A_136] : memref<10240x128xf32, #tpu.memory_space<vmem_shared>> -> memref<128x128xf32, #tpu.memory_space<vmem_shared>>
      %dma_wait3A_138 = arith.constant 0 : i32
      %dma_wait3A_139 = arith.constant 0 : i32
      %dma_wait3A_140 = tpu.memref_slice %arg5[%dma_wait3A_138, %dma_wait3A_139] : memref<128x128xf32, #tpu.memory_space<hbm>> -> memref<128x128xf32, #tpu.memory_space<hbm>>
      tpu.wait_dma2 semaphore(%run_scoped3A : memref<!tpu.dma_semaphore, #tpu.memory_space<semaphore_mem>>) src(%dma_wait3A_140 : memref<128x128xf32, #tpu.memory_space<hbm>>) dst(%dma_wait3A_137 : memref<128x128xf32, #tpu.memory_space<vmem_shared>>)
      tpu.yield
    }) : () -> ()
    %mul3A_21 = arith.constant 80 : i32
    %mul3A_22 = arith.muli %add3A, %mul3A_21 : i32
    %add3A_23 = arith.constant 0 : i32
    %add3A_24 = arith.addi %mul3A_22, %add3A_23 : i32
    %dma_start3A = arith.constant 0 : i32
    %dma_start3A_25 = tpu.memref_slice %arg2[%add3A_24, %dma_start3A] : memref<2560x128xi32, #tpu.memory_space<hbm>> -> memref<1x128xi32, #tpu.memory_space<hbm>>
    %dma_start3A_26 = tpu.memref_squeeze %dma_start3A_25 : memref<1x128xi32, #tpu.memory_space<hbm>> -> memref<128xi32, #tpu.memory_space<hbm>>
    %dma_start3A_27 = arith.constant 0 : i32
    %dma_start3A_28 = tpu.memref_slice %arg2[%add3A_24, %dma_start3A_27] : memref<2560x128xi32, #tpu.memory_space<hbm>> -> memref<1x128xi32, #tpu.memory_space<hbm>>
    %dma_start3A_29 = tpu.memref_squeeze %dma_start3A_28 : memref<1x128xi32, #tpu.memory_space<hbm>> -> memref<128xi32, #tpu.memory_space<hbm>>
    tpu.enqueue_dma source(%dma_start3A_29 : memref<128xi32, #tpu.memory_space<hbm>>) target(%arg7 : memref<128xi32, #tpu.memory_space<vmem>>) target_semaphore(%arg20 : memref<!tpu.dma_semaphore, #tpu.memory_space<semaphore_mem>>)
    %add3A_30 = arith.constant 0 : i32
    %add3A_31 = arith.addi %mul3A_22, %add3A_30 : i32
    %dma_start3A_32 = arith.constant 0 : i32
    %dma_start3A_33 = tpu.memref_slice %arg3[%add3A_31, %dma_start3A_32] : memref<2560x128xi32, #tpu.memory_space<hbm>> -> memref<1x128xi32, #tpu.memory_space<hbm>>
    %dma_start3A_34 = tpu.memref_squeeze %dma_start3A_33 : memref<1x128xi32, #tpu.memory_space<hbm>> -> memref<128xi32, #tpu.memory_space<hbm>>
    %dma_start3A_35 = arith.constant 0 : i32
    %dma_start3A_36 = tpu.memref_slice %arg3[%add3A_31, %dma_start3A_35] : memref<2560x128xi32, #tpu.memory_space<hbm>> -> memref<1x128xi32, #tpu.memory_space<hbm>>
    %dma_start3A_37 = tpu.memref_squeeze %dma_start3A_36 : memref<1x128xi32, #tpu.memory_space<hbm>> -> memref<128xi32, #tpu.memory_space<hbm>>
    tpu.enqueue_dma source(%dma_start3A_37 : memref<128xi32, #tpu.memory_space<hbm>>) target(%arg11 : memref<128xi32, #tpu.memory_space<vmem>>) target_semaphore(%arg24 : memref<!tpu.dma_semaphore, #tpu.memory_space<semaphore_mem>>)
    %add3A_38 = arith.constant 1 : i32
    %add3A_39 = arith.addi %mul3A_22, %add3A_38 : i32
    %dma_start3A_40 = arith.constant 0 : i32
    %dma_start3A_41 = tpu.memref_slice %arg2[%add3A_39, %dma_start3A_40] : memref<2560x128xi32, #tpu.memory_space<hbm>> -> memref<1x128xi32, #tpu.memory_space<hbm>>
    %dma_start3A_42 = tpu.memref_squeeze %dma_start3A_41 : memref<1x128xi32, #tpu.memory_space<hbm>> -> memref<128xi32, #tpu.memory_space<hbm>>
    %dma_start3A_43 = arith.constant 0 : i32
    %dma_start3A_44 = tpu.memref_slice %arg2[%add3A_39, %dma_start3A_43] : memref<2560x128xi32, #tpu.memory_space<hbm>> -> memref<1x128xi32, #tpu.memory_space<hbm>>
    %dma_start3A_45 = tpu.memref_squeeze %dma_start3A_44 : memref<1x128xi32, #tpu.memory_space<hbm>> -> memref<128xi32, #tpu.memory_space<hbm>>
    tpu.enqueue_dma source(%dma_start3A_45 : memref<128xi32, #tpu.memory_space<hbm>>) target(%arg8 : memref<128xi32, #tpu.memory_space<vmem>>) target_semaphore(%arg21 : memref<!tpu.dma_semaphore, #tpu.memory_space<semaphore_mem>>)
    %add3A_46 = arith.constant 1 : i32
    %add3A_47 = arith.addi %mul3A_22, %add3A_46 : i32
    %dma_start3A_48 = arith.constant 0 : i32
    %dma_start3A_49 = tpu.memref_slice %arg3[%add3A_47, %dma_start3A_48] : memref<2560x128xi32, #tpu.memory_space<hbm>> -> memref<1x128xi32, #tpu.memory_space<hbm>>
    %dma_start3A_50 = tpu.memref_squeeze %dma_start3A_49 : memref<1x128xi32, #tpu.memory_space<hbm>> -> memref<128xi32, #tpu.memory_space<hbm>>
    %dma_start3A_51 = arith.constant 0 : i32
    %dma_start3A_52 = tpu.memref_slice %arg3[%add3A_47, %dma_start3A_51] : memref<2560x128xi32, #tpu.memory_space<hbm>> -> memref<1x128xi32, #tpu.memory_space<hbm>>
    %dma_start3A_53 = tpu.memref_squeeze %dma_start3A_52 : memref<1x128xi32, #tpu.memory_space<hbm>> -> memref<128xi32, #tpu.memory_space<hbm>>
    tpu.enqueue_dma source(%dma_start3A_53 : memref<128xi32, #tpu.memory_space<hbm>>) target(%arg12 : memref<128xi32, #tpu.memory_space<vmem>>) target_semaphore(%arg25 : memref<!tpu.dma_semaphore, #tpu.memory_space<semaphore_mem>>)
    %add3A_54 = arith.constant 2 : i32
    %add3A_55 = arith.addi %mul3A_22, %add3A_54 : i32
    %dma_start3A_56 = arith.constant 0 : i32
    %dma_start3A_57 = tpu.memref_slice %arg2[%add3A_55, %dma_start3A_56] : memref<2560x128xi32, #tpu.memory_space<hbm>> -> memref<1x128xi32, #tpu.memory_space<hbm>>
    %dma_start3A_58 = tpu.memref_squeeze %dma_start3A_57 : memref<1x128xi32, #tpu.memory_space<hbm>> -> memref<128xi32, #tpu.memory_space<hbm>>
    %dma_start3A_59 = arith.constant 0 : i32
    %dma_start3A_60 = tpu.memref_slice %arg2[%add3A_55, %dma_start3A_59] : memref<2560x128xi32, #tpu.memory_space<hbm>> -> memref<1x128xi32, #tpu.memory_space<hbm>>
    %dma_start3A_61 = tpu.memref_squeeze %dma_start3A_60 : memref<1x128xi32, #tpu.memory_space<hbm>> -> memref<128xi32, #tpu.memory_space<hbm>>
    tpu.enqueue_dma source(%dma_start3A_61 : memref<128xi32, #tpu.memory_space<hbm>>) target(%arg9 : memref<128xi32, #tpu.memory_space<vmem>>) target_semaphore(%arg22 : memref<!tpu.dma_semaphore, #tpu.memory_space<semaphore_mem>>)
    %add3A_62 = arith.constant 2 : i32
    %add3A_63 = arith.addi %mul3A_22, %add3A_62 : i32
    %dma_start3A_64 = arith.constant 0 : i32
    %dma_start3A_65 = tpu.memref_slice %arg3[%add3A_63, %dma_start3A_64] : memref<2560x128xi32, #tpu.memory_space<hbm>> -> memref<1x128xi32, #tpu.memory_space<hbm>>
    %dma_start3A_66 = tpu.memref_squeeze %dma_start3A_65 : memref<1x128xi32, #tpu.memory_space<hbm>> -> memref<128xi32, #tpu.memory_space<hbm>>
    %dma_start3A_67 = arith.constant 0 : i32
    %dma_start3A_68 = tpu.memref_slice %arg3[%add3A_63, %dma_start3A_67] : memref<2560x128xi32, #tpu.memory_space<hbm>> -> memref<1x128xi32, #tpu.memory_space<hbm>>
    %dma_start3A_69 = tpu.memref_squeeze %dma_start3A_68 : memref<1x128xi32, #tpu.memory_space<hbm>> -> memref<128xi32, #tpu.memory_space<hbm>>
    tpu.enqueue_dma source(%dma_start3A_69 : memref<128xi32, #tpu.memory_space<hbm>>) target(%arg13 : memref<128xi32, #tpu.memory_space<vmem>>) target_semaphore(%arg26 : memref<!tpu.dma_semaphore, #tpu.memory_space<semaphore_mem>>)
    %add3A_70 = arith.constant 3 : i32
    %add3A_71 = arith.addi %mul3A_22, %add3A_70 : i32
    %dma_start3A_72 = arith.constant 0 : i32
    %dma_start3A_73 = tpu.memref_slice %arg2[%add3A_71, %dma_start3A_72] : memref<2560x128xi32, #tpu.memory_space<hbm>> -> memref<1x128xi32, #tpu.memory_space<hbm>>
    %dma_start3A_74 = tpu.memref_squeeze %dma_start3A_73 : memref<1x128xi32, #tpu.memory_space<hbm>> -> memref<128xi32, #tpu.memory_space<hbm>>
    %dma_start3A_75 = arith.constant 0 : i32
    %dma_start3A_76 = tpu.memref_slice %arg2[%add3A_71, %dma_start3A_75] : memref<2560x128xi32, #tpu.memory_space<hbm>> -> memref<1x128xi32, #tpu.memory_space<hbm>>
    %dma_start3A_77 = tpu.memref_squeeze %dma_start3A_76 : memref<1x128xi32, #tpu.memory_space<hbm>> -> memref<128xi32, #tpu.memory_space<hbm>>
    tpu.enqueue_dma source(%dma_start3A_77 : memref<128xi32, #tpu.memory_space<hbm>>) target(%arg10 : memref<128xi32, #tpu.memory_space<vmem>>) target_semaphore(%arg23 : memref<!tpu.dma_semaphore, #tpu.memory_space<semaphore_mem>>)
    %add3A_78 = arith.constant 3 : i32
    %add3A_79 = arith.addi %mul3A_22, %add3A_78 : i32
    %dma_start3A_80 = arith.constant 0 : i32
    %dma_start3A_81 = tpu.memref_slice %arg3[%add3A_79, %dma_start3A_80] : memref<2560x128xi32, #tpu.memory_space<hbm>> -> memref<1x128xi32, #tpu.memory_space<hbm>>
    %dma_start3A_82 = tpu.memref_squeeze %dma_start3A_81 : memref<1x128xi32, #tpu.memory_space<hbm>> -> memref<128xi32, #tpu.memory_space<hbm>>
    %dma_start3A_83 = arith.constant 0 : i32
    %dma_start3A_84 = tpu.memref_slice %arg3[%add3A_79, %dma_start3A_83] : memref<2560x128xi32, #tpu.memory_space<hbm>> -> memref<1x128xi32, #tpu.memory_space<hbm>>
    %dma_start3A_85 = tpu.memref_squeeze %dma_start3A_84 : memref<1x128xi32, #tpu.memory_space<hbm>> -> memref<128xi32, #tpu.memory_space<hbm>>
    tpu.enqueue_dma source(%dma_start3A_85 : memref<128xi32, #tpu.memory_space<hbm>>) target(%arg14 : memref<128xi32, #tpu.memory_space<vmem>>) target_semaphore(%arg27 : memref<!tpu.dma_semaphore, #tpu.memory_space<semaphore_mem>>)
    %barrier3A = arith.constant 0 : index
    tpu.barrier barrier_id(%barrier3A)
    %dma_wait3A = arith.constant 0 : i32
    %dma_wait3A_86 = arith.constant 0 : i32
    %dma_wait3A_87 = tpu.memref_slice %arg2[%dma_wait3A, %dma_wait3A_86] : memref<2560x128xi32, #tpu.memory_space<hbm>> -> memref<1x128xi32, #tpu.memory_space<hbm>>
    %dma_wait3A_88 = tpu.memref_squeeze %dma_wait3A_87 : memref<1x128xi32, #tpu.memory_space<hbm>> -> memref<128xi32, #tpu.memory_space<hbm>>
    %dma_wait3A_89 = arith.constant 0 : i32
    %dma_wait3A_90 = tpu.memref_slice %arg2[%dma_wait3A, %dma_wait3A_89] : memref<2560x128xi32, #tpu.memory_space<hbm>> -> memref<1x128xi32, #tpu.memory_space<hbm>>
    %dma_wait3A_91 = tpu.memref_squeeze %dma_wait3A_90 : memref<1x128xi32, #tpu.memory_space<hbm>> -> memref<128xi32, #tpu.memory_space<hbm>>
    tpu.wait_dma2 semaphore(%arg20 : memref<!tpu.dma_semaphore, #tpu.memory_space<semaphore_mem>>) src(%dma_wait3A_91 : memref<128xi32, #tpu.memory_space<hbm>>) dst(%arg7 : memref<128xi32, #tpu.memory_space<vmem>>)
    %dma_start3A_92 = arith.constant 0 : i32
    %dma_start3A_93 = arith.constant 0 : i32
    %dma_start3A_94 = tpu.memref_slice %arg4[%dma_start3A_92, %dma_start3A_93] : memref<10000x128xf32, #tpu.memory_space<hbm>> -> memref<10000x128xf32, #tpu.memory_space<hbm>>
    tpu.enqueue_indirect_dma source(%dma_start3A_94 : memref<10000x128xf32, #tpu.memory_space<hbm>>) target(%arg15 : memref<128x128xf32, #tpu.memory_space<vmem>>) offsets(%arg7 : memref<128xi32, #tpu.memory_space<vmem>>) semaphore(%arg18 : memref<!tpu.dma_semaphore, #tpu.memory_space<semaphore_mem>>)
    %dma_wait3A_95 = arith.constant 0 : i32
    %dma_wait3A_96 = arith.constant 0 : i32
    %dma_wait3A_97 = tpu.memref_slice %arg2[%dma_wait3A_95, %dma_wait3A_96] : memref<2560x128xi32, #tpu.memory_space<hbm>> -> memref<1x128xi32, #tpu.memory_space<hbm>>
    %dma_wait3A_98 = tpu.memref_squeeze %dma_wait3A_97 : memref<1x128xi32, #tpu.memory_space<hbm>> -> memref<128xi32, #tpu.memory_space<hbm>>
    %dma_wait3A_99 = arith.constant 0 : i32
    %dma_wait3A_100 = tpu.memref_slice %arg2[%dma_wait3A_95, %dma_wait3A_99] : memref<2560x128xi32, #tpu.memory_space<hbm>> -> memref<1x128xi32, #tpu.memory_space<hbm>>
    %dma_wait3A_101 = tpu.memref_squeeze %dma_wait3A_100 : memref<1x128xi32, #tpu.memory_space<hbm>> -> memref<128xi32, #tpu.memory_space<hbm>>
    tpu.wait_dma2 semaphore(%arg21 : memref<!tpu.dma_semaphore, #tpu.memory_space<semaphore_mem>>) src(%dma_wait3A_101 : memref<128xi32, #tpu.memory_space<hbm>>) dst(%arg8 : memref<128xi32, #tpu.memory_space<vmem>>)
    %dma_start3A_102 = arith.constant 0 : i32
    %dma_start3A_103 = arith.constant 0 : i32
    %dma_start3A_104 = tpu.memref_slice %arg4[%dma_start3A_102, %dma_start3A_103] : memref<10000x128xf32, #tpu.memory_space<hbm>> -> memref<10000x128xf32, #tpu.memory_space<hbm>>
    tpu.enqueue_indirect_dma source(%dma_start3A_104 : memref<10000x128xf32, #tpu.memory_space<hbm>>) target(%arg16 : memref<128x128xf32, #tpu.memory_space<vmem>>) offsets(%arg8 : memref<128xi32, #tpu.memory_space<vmem>>) semaphore(%arg19 : memref<!tpu.dma_semaphore, #tpu.memory_space<semaphore_mem>>)
    %scan3A = arith.constant 0 : i32
    %scan3A_105 = arith.constant 0 : i32
    %scan3A_106 = arith.constant 20 : i32
    %scan3A_107 = arith.addi %scan3A_105, %scan3A_106 : i32
    %scan3A_108 = arith.constant 1 : i32
    scf.for %scan3A_131 = %scan3A_105 to %scan3A_107 step %scan3A_108  : i32 {
      %mul3A_132 = arith.constant 4 : i32
      %mul3A_133 = arith.muli %scan3A_131, %mul3A_132 : i32
      %add3A_134 = arith.constant 0 : i32
      %add3A_135 = arith.addi %mul3A_133, %add3A_134 : i32
      %dma_wait3A_136 = arith.constant 0 : i32
      %dma_wait3A_137 = arith.constant 0 : i32
      %dma_wait3A_138 = tpu.memref_slice %arg4[%dma_wait3A_136, %dma_wait3A_137] : memref<10000x128xf32, #tpu.memory_space<hbm>> -> memref<10000x128xf32, #tpu.memory_space<hbm>>
      tpu.wait_indirect_dma semaphore(%arg18 : memref<!tpu.dma_semaphore, #tpu.memory_space<semaphore_mem>>) src(%dma_wait3A_138 : memref<10000x128xf32, #tpu.memory_space<hbm>>) dst(%arg15 : memref<128x128xf32, #tpu.memory_space<vmem>>)
      %dma_wait3A_139 = arith.constant 0 : i32
      %dma_wait3A_140 = arith.constant 0 : i32
      %dma_wait3A_141 = tpu.memref_slice %arg3[%dma_wait3A_139, %dma_wait3A_140] : memref<2560x128xi32, #tpu.memory_space<hbm>> -> memref<1x128xi32, #tpu.memory_space<hbm>>
      %dma_wait3A_142 = tpu.memref_squeeze %dma_wait3A_141 : memref<1x128xi32, #tpu.memory_space<hbm>> -> memref<128xi32, #tpu.memory_space<hbm>>
      %dma_wait3A_143 = arith.constant 0 : i32
      %dma_wait3A_144 = tpu.memref_slice %arg3[%dma_wait3A_139, %dma_wait3A_143] : memref<2560x128xi32, #tpu.memory_space<hbm>> -> memref<1x128xi32, #tpu.memory_space<hbm>>
      %dma_wait3A_145 = tpu.memref_squeeze %dma_wait3A_144 : memref<1x128xi32, #tpu.memory_space<hbm>> -> memref<128xi32, #tpu.memory_space<hbm>>
      tpu.wait_dma2 semaphore(%arg24 : memref<!tpu.dma_semaphore, #tpu.memory_space<semaphore_mem>>) src(%dma_wait3A_145 : memref<128xi32, #tpu.memory_space<hbm>>) dst(%arg11 : memref<128xi32, #tpu.memory_space<vmem>>)
      "tpu.region"() ({
        %run_scoped3A = tpu.sem_alloc : memref<!tpu.dma_semaphore, #tpu.memory_space<semaphore_mem>>
        %dma_start3A_241 = arith.constant 0 : i32
        %dma_start3A_242 = arith.constant 0 : i32
        %dma_start3A_243 = tpu.memref_slice %arg17[%dma_start3A_241, %dma_start3A_242] : memref<10240x128xf32, #tpu.memory_space<vmem_shared>> -> memref<10240x128xf32, #tpu.memory_space<vmem_shared>>
        tpu.enqueue_indirect_dma source(%arg15 : memref<128x128xf32, #tpu.memory_space<vmem>>) target(%dma_start3A_243 : memref<10240x128xf32, #tpu.memory_space<vmem_shared>>) offsets(%arg11 : memref<128xi32, #tpu.memory_space<vmem>>) semaphore(%run_scoped3A : memref<!tpu.dma_semaphore, #tpu.memory_space<semaphore_mem>>) {add = true}
        %dma_wait3A_244 = arith.constant 0 : i32
        %dma_wait3A_245 = arith.constant 0 : i32
        %dma_wait3A_246 = tpu.memref_slice %arg17[%dma_wait3A_244, %dma_wait3A_245] : memref<10240x128xf32, #tpu.memory_space<vmem_shared>> -> memref<10240x128xf32, #tpu.memory_space<vmem_shared>>
        tpu.wait_indirect_dma semaphore(%run_scoped3A : memref<!tpu.dma_semaphore, #tpu.memory_space<semaphore_mem>>) src(%arg15 : memref<128x128xf32, #tpu.memory_space<vmem>>) dst(%dma_wait3A_246 : memref<10240x128xf32, #tpu.memory_space<vmem_shared>>)
        tpu.yield
      }) : () -> ()
      %add3A_146 = arith.constant 4 : i32
      %add3A_147 = arith.addi %add3A_135, %add3A_146 : i32
      %lt3A = arith.constant 80 : i32
      %lt3A_148 = arith.cmpi slt, %add3A_147, %lt3A : i32
      %convert_element_type3A = arith.extui %lt3A_148 : i1 to i32
      %cond3A = arith.constant 0 : i32
      %cond3A_149 = arith.cmpi ne, %convert_element_type3A, %cond3A : i32
      scf.if %cond3A_149 {
        %add3A_241 = arith.addi %mul3A_22, %add3A_135 : i32
        %add3A_242 = arith.constant 4 : i32
        %add3A_243 = arith.addi %add3A_241, %add3A_242 : i32
        %dma_start3A_244 = arith.constant 0 : i32
        %dma_start3A_245 = tpu.memref_slice %arg2[%add3A_243, %dma_start3A_244] : memref<2560x128xi32, #tpu.memory_space<hbm>> -> memref<1x128xi32, #tpu.memory_space<hbm>>
        %dma_start3A_246 = tpu.memref_squeeze %dma_start3A_245 : memref<1x128xi32, #tpu.memory_space<hbm>> -> memref<128xi32, #tpu.memory_space<hbm>>
        %dma_start3A_247 = arith.constant 0 : i32
        %dma_start3A_248 = tpu.memref_slice %arg2[%add3A_243, %dma_start3A_247] : memref<2560x128xi32, #tpu.memory_space<hbm>> -> memref<1x128xi32, #tpu.memory_space<hbm>>
        %dma_start3A_249 = tpu.memref_squeeze %dma_start3A_248 : memref<1x128xi32, #tpu.memory_space<hbm>> -> memref<128xi32, #tpu.memory_space<hbm>>
        tpu.enqueue_dma source(%dma_start3A_249 : memref<128xi32, #tpu.memory_space<hbm>>) target(%arg7 : memref<128xi32, #tpu.memory_space<vmem>>) target_semaphore(%arg20 : memref<!tpu.dma_semaphore, #tpu.memory_space<semaphore_mem>>)
        %add3A_250 = arith.addi %mul3A_22, %add3A_135 : i32
        %add3A_251 = arith.constant 4 : i32
        %add3A_252 = arith.addi %add3A_250, %add3A_251 : i32
        %dma_start3A_253 = arith.constant 0 : i32
        %dma_start3A_254 = tpu.memref_slice %arg3[%add3A_252, %dma_start3A_253] : memref<2560x128xi32, #tpu.memory_space<hbm>> -> memref<1x128xi32, #tpu.memory_space<hbm>>
        %dma_start3A_255 = tpu.memref_squeeze %dma_start3A_254 : memref<1x128xi32, #tpu.memory_space<hbm>> -> memref<128xi32, #tpu.memory_space<hbm>>
        %dma_start3A_256 = arith.constant 0 : i32
        %dma_start3A_257 = tpu.memref_slice %arg3[%add3A_252, %dma_start3A_256] : memref<2560x128xi32, #tpu.memory_space<hbm>> -> memref<1x128xi32, #tpu.memory_space<hbm>>
        %dma_start3A_258 = tpu.memref_squeeze %dma_start3A_257 : memref<1x128xi32, #tpu.memory_space<hbm>> -> memref<128xi32, #tpu.memory_space<hbm>>
        tpu.enqueue_dma source(%dma_start3A_258 : memref<128xi32, #tpu.memory_space<hbm>>) target(%arg11 : memref<128xi32, #tpu.memory_space<vmem>>) target_semaphore(%arg24 : memref<!tpu.dma_semaphore, #tpu.memory_space<semaphore_mem>>)
      } else {
      }
      %add3A_150 = arith.constant 2 : i32
      %add3A_151 = arith.addi %add3A_135, %add3A_150 : i32
      %lt3A_152 = arith.constant 80 : i32
      %lt3A_153 = arith.cmpi slt, %add3A_151, %lt3A_152 : i32
      %convert_element_type3A_154 = arith.extui %lt3A_153 : i1 to i32
      %cond3A_155 = arith.constant 0 : i32
      %cond3A_156 = arith.cmpi ne, %convert_element_type3A_154, %cond3A_155 : i32
      scf.if %cond3A_156 {
        %dma_wait3A_241 = arith.constant 0 : i32
        %dma_wait3A_242 = arith.constant 0 : i32
        %dma_wait3A_243 = tpu.memref_slice %arg2[%dma_wait3A_241, %dma_wait3A_242] : memref<2560x128xi32, #tpu.memory_space<hbm>> -> memref<1x128xi32, #tpu.memory_space<hbm>>
        %dma_wait3A_244 = tpu.memref_squeeze %dma_wait3A_243 : memref<1x128xi32, #tpu.memory_space<hbm>> -> memref<128xi32, #tpu.memory_space<hbm>>
        %dma_wait3A_245 = arith.constant 0 : i32
        %dma_wait3A_246 = tpu.memref_slice %arg2[%dma_wait3A_241, %dma_wait3A_245] : memref<2560x128xi32, #tpu.memory_space<hbm>> -> memref<1x128xi32, #tpu.memory_space<hbm>>
        %dma_wait3A_247 = tpu.memref_squeeze %dma_wait3A_246 : memref<1x128xi32, #tpu.memory_space<hbm>> -> memref<128xi32, #tpu.memory_space<hbm>>
        tpu.wait_dma2 semaphore(%arg22 : memref<!tpu.dma_semaphore, #tpu.memory_space<semaphore_mem>>) src(%dma_wait3A_247 : memref<128xi32, #tpu.memory_space<hbm>>) dst(%arg9 : memref<128xi32, #tpu.memory_space<vmem>>)
        %dma_start3A_248 = arith.constant 0 : i32
        %dma_start3A_249 = arith.constant 0 : i32
        %dma_start3A_250 = tpu.memref_slice %arg4[%dma_start3A_248, %dma_start3A_249] : memref<10000x128xf32, #tpu.memory_space<hbm>> -> memref<10000x128xf32, #tpu.memory_space<hbm>>
        tpu.enqueue_indirect_dma source(%dma_start3A_250 : memref<10000x128xf32, #tpu.memory_space<hbm>>) target(%arg15 : memref<128x128xf32, #tpu.memory_space<vmem>>) offsets(%arg9 : memref<128xi32, #tpu.memory_space<vmem>>) semaphore(%arg18 : memref<!tpu.dma_semaphore, #tpu.memory_space<semaphore_mem>>)
      } else {
      }
      %mul3A_157 = arith.constant 4 : i32
      %mul3A_158 = arith.muli %scan3A_131, %mul3A_157 : i32
      %add3A_159 = arith.constant 1 : i32
      %add3A_160 = arith.addi %mul3A_158, %add3A_159 : i32
      %dma_wait3A_161 = arith.constant 0 : i32
      %dma_wait3A_162 = arith.constant 0 : i32
      %dma_wait3A_163 = tpu.memref_slice %arg4[%dma_wait3A_161, %dma_wait3A_162] : memref<10000x128xf32, #tpu.memory_space<hbm>> -> memref<10000x128xf32, #tpu.memory_space<hbm>>
      tpu.wait_indirect_dma semaphore(%arg19 : memref<!tpu.dma_semaphore, #tpu.memory_space<semaphore_mem>>) src(%dma_wait3A_163 : memref<10000x128xf32, #tpu.memory_space<hbm>>) dst(%arg16 : memref<128x128xf32, #tpu.memory_space<vmem>>)
      %dma_wait3A_164 = arith.constant 0 : i32
      %dma_wait3A_165 = arith.constant 0 : i32
      %dma_wait3A_166 = tpu.memref_slice %arg3[%dma_wait3A_164, %dma_wait3A_165] : memref<2560x128xi32, #tpu.memory_space<hbm>> -> memref<1x128xi32, #tpu.memory_space<hbm>>
      %dma_wait3A_167 = tpu.memref_squeeze %dma_wait3A_166 : memref<1x128xi32, #tpu.memory_space<hbm>> -> memref<128xi32, #tpu.memory_space<hbm>>
      %dma_wait3A_168 = arith.constant 0 : i32
      %dma_wait3A_169 = tpu.memref_slice %arg3[%dma_wait3A_164, %dma_wait3A_168] : memref<2560x128xi32, #tpu.memory_space<hbm>> -> memref<1x128xi32, #tpu.memory_space<hbm>>
      %dma_wait3A_170 = tpu.memref_squeeze %dma_wait3A_169 : memref<1x128xi32, #tpu.memory_space<hbm>> -> memref<128xi32, #tpu.memory_space<hbm>>
      tpu.wait_dma2 semaphore(%arg25 : memref<!tpu.dma_semaphore, #tpu.memory_space<semaphore_mem>>) src(%dma_wait3A_170 : memref<128xi32, #tpu.memory_space<hbm>>) dst(%arg12 : memref<128xi32, #tpu.memory_space<vmem>>)
      "tpu.region"() ({
        %run_scoped3A = tpu.sem_alloc : memref<!tpu.dma_semaphore, #tpu.memory_space<semaphore_mem>>
        %dma_start3A_241 = arith.constant 0 : i32
        %dma_start3A_242 = arith.constant 0 : i32
        %dma_start3A_243 = tpu.memref_slice %arg17[%dma_start3A_241, %dma_start3A_242] : memref<10240x128xf32, #tpu.memory_space<vmem_shared>> -> memref<10240x128xf32, #tpu.memory_space<vmem_shared>>
        tpu.enqueue_indirect_dma source(%arg16 : memref<128x128xf32, #tpu.memory_space<vmem>>) target(%dma_start3A_243 : memref<10240x128xf32, #tpu.memory_space<vmem_shared>>) offsets(%arg12 : memref<128xi32, #tpu.memory_space<vmem>>) semaphore(%run_scoped3A : memref<!tpu.dma_semaphore, #tpu.memory_space<semaphore_mem>>) {add = true}
        %dma_wait3A_244 = arith.constant 0 : i32
        %dma_wait3A_245 = arith.constant 0 : i32
        %dma_wait3A_246 = tpu.memref_slice %arg17[%dma_wait3A_244, %dma_wait3A_245] : memref<10240x128xf32, #tpu.memory_space<vmem_shared>> -> memref<10240x128xf32, #tpu.memory_space<vmem_shared>>
        tpu.wait_indirect_dma semaphore(%run_scoped3A : memref<!tpu.dma_semaphore, #tpu.memory_space<semaphore_mem>>) src(%arg16 : memref<128x128xf32, #tpu.memory_space<vmem>>) dst(%dma_wait3A_246 : memref<10240x128xf32, #tpu.memory_space<vmem_shared>>)
        tpu.yield
      }) : () -> ()
      %add3A_171 = arith.constant 4 : i32
      %add3A_172 = arith.addi %add3A_160, %add3A_171 : i32
      %lt3A_173 = arith.constant 80 : i32
      %lt3A_174 = arith.cmpi slt, %add3A_172, %lt3A_173 : i32
      %convert_element_type3A_175 = arith.extui %lt3A_174 : i1 to i32
      %cond3A_176 = arith.constant 0 : i32
      %cond3A_177 = arith.cmpi ne, %convert_element_type3A_175, %cond3A_176 : i32
      scf.if %cond3A_177 {
        %add3A_241 = arith.addi %mul3A_22, %add3A_160 : i32
        %add3A_242 = arith.constant 4 : i32
        %add3A_243 = arith.addi %add3A_241, %add3A_242 : i32
        %dma_start3A_244 = arith.constant 0 : i32
        %dma_start3A_245 = tpu.memref_slice %arg2[%add3A_243, %dma_start3A_244] : memref<2560x128xi32, #tpu.memory_space<hbm>> -> memref<1x128xi32, #tpu.memory_space<hbm>>
        %dma_start3A_246 = tpu.memref_squeeze %dma_start3A_245 : memref<1x128xi32, #tpu.memory_space<hbm>> -> memref<128xi32, #tpu.memory_space<hbm>>
        %dma_start3A_247 = arith.constant 0 : i32
        %dma_start3A_248 = tpu.memref_slice %arg2[%add3A_243, %dma_start3A_247] : memref<2560x128xi32, #tpu.memory_space<hbm>> -> memref<1x128xi32, #tpu.memory_space<hbm>>
        %dma_start3A_249 = tpu.memref_squeeze %dma_start3A_248 : memref<1x128xi32, #tpu.memory_space<hbm>> -> memref<128xi32, #tpu.memory_space<hbm>>
        tpu.enqueue_dma source(%dma_start3A_249 : memref<128xi32, #tpu.memory_space<hbm>>) target(%arg8 : memref<128xi32, #tpu.memory_space<vmem>>) target_semaphore(%arg21 : memref<!tpu.dma_semaphore, #tpu.memory_space<semaphore_mem>>)
        %add3A_250 = arith.addi %mul3A_22, %add3A_160 : i32
        %add3A_251 = arith.constant 4 : i32
        %add3A_252 = arith.addi %add3A_250, %add3A_251 : i32
        %dma_start3A_253 = arith.constant 0 : i32
        %dma_start3A_254 = tpu.memref_slice %arg3[%add3A_252, %dma_start3A_253] : memref<2560x128xi32, #tpu.memory_space<hbm>> -> memref<1x128xi32, #tpu.memory_space<hbm>>
        %dma_start3A_255 = tpu.memref_squeeze %dma_start3A_254 : memref<1x128xi32, #tpu.memory_space<hbm>> -> memref<128xi32, #tpu.memory_space<hbm>>
        %dma_start3A_256 = arith.constant 0 : i32
        %dma_start3A_257 = tpu.memref_slice %arg3[%add3A_252, %dma_start3A_256] : memref<2560x128xi32, #tpu.memory_space<hbm>> -> memref<1x128xi32, #tpu.memory_space<hbm>>
        %dma_start3A_258 = tpu.memref_squeeze %dma_start3A_257 : memref<1x128xi32, #tpu.memory_space<hbm>> -> memref<128xi32, #tpu.memory_space<hbm>>
        tpu.enqueue_dma source(%dma_start3A_258 : memref<128xi32, #tpu.memory_space<hbm>>) target(%arg12 : memref<128xi32, #tpu.memory_space<vmem>>) target_semaphore(%arg25 : memref<!tpu.dma_semaphore, #tpu.memory_space<semaphore_mem>>)
      } else {
      }
      %add3A_178 = arith.constant 2 : i32
      %add3A_179 = arith.addi %add3A_160, %add3A_178 : i32
      %lt3A_180 = arith.constant 80 : i32
      %lt3A_181 = arith.cmpi slt, %add3A_179, %lt3A_180 : i32
      %convert_element_type3A_182 = arith.extui %lt3A_181 : i1 to i32
      %cond3A_183 = arith.constant 0 : i32
      %cond3A_184 = arith.cmpi ne, %convert_element_type3A_182, %cond3A_183 : i32
      scf.if %cond3A_184 {
        %dma_wait3A_241 = arith.constant 0 : i32
        %dma_wait3A_242 = arith.constant 0 : i32
        %dma_wait3A_243 = tpu.memref_slice %arg2[%dma_wait3A_241, %dma_wait3A_242] : memref<2560x128xi32, #tpu.memory_space<hbm>> -> memref<1x128xi32, #tpu.memory_space<hbm>>
        %dma_wait3A_244 = tpu.memref_squeeze %dma_wait3A_243 : memref<1x128xi32, #tpu.memory_space<hbm>> -> memref<128xi32, #tpu.memory_space<hbm>>
        %dma_wait3A_245 = arith.constant 0 : i32
        %dma_wait3A_246 = tpu.memref_slice %arg2[%dma_wait3A_241, %dma_wait3A_245] : memref<2560x128xi32, #tpu.memory_space<hbm>> -> memref<1x128xi32, #tpu.memory_space<hbm>>
        %dma_wait3A_247 = tpu.memref_squeeze %dma_wait3A_246 : memref<1x128xi32, #tpu.memory_space<hbm>> -> memref<128xi32, #tpu.memory_space<hbm>>
        tpu.wait_dma2 semaphore(%arg23 : memref<!tpu.dma_semaphore, #tpu.memory_space<semaphore_mem>>) src(%dma_wait3A_247 : memref<128xi32, #tpu.memory_space<hbm>>) dst(%arg10 : memref<128xi32, #tpu.memory_space<vmem>>)
        %dma_start3A_248 = arith.constant 0 : i32
        %dma_start3A_249 = arith.constant 0 : i32
        %dma_start3A_250 = tpu.memref_slice %arg4[%dma_start3A_248, %dma_start3A_249] : memref<10000x128xf32, #tpu.memory_space<hbm>> -> memref<10000x128xf32, #tpu.memory_space<hbm>>
        tpu.enqueue_indirect_dma source(%dma_start3A_250 : memref<10000x128xf32, #tpu.memory_space<hbm>>) target(%arg16 : memref<128x128xf32, #tpu.memory_space<vmem>>) offsets(%arg10 : memref<128xi32, #tpu.memory_space<vmem>>) semaphore(%arg19 : memref<!tpu.dma_semaphore, #tpu.memory_space<semaphore_mem>>)
      } else {
      }
      %mul3A_185 = arith.constant 4 : i32
      %mul3A_186 = arith.muli %scan3A_131, %mul3A_185 : i32
      %add3A_187 = arith.constant 2 : i32
      %add3A_188 = arith.addi %mul3A_186, %add3A_187 : i32
      %dma_wait3A_189 = arith.constant 0 : i32
      %dma_wait3A_190 = arith.constant 0 : i32
      %dma_wait3A_191 = tpu.memref_slice %arg4[%dma_wait3A_189, %dma_wait3A_190] : memref<10000x128xf32, #tpu.memory_space<hbm>> -> memref<10000x128xf32, #tpu.memory_space<hbm>>
      tpu.wait_indirect_dma semaphore(%arg18 : memref<!tpu.dma_semaphore, #tpu.memory_space<semaphore_mem>>) src(%dma_wait3A_191 : memref<10000x128xf32, #tpu.memory_space<hbm>>) dst(%arg15 : memref<128x128xf32, #tpu.memory_space<vmem>>)
      %dma_wait3A_192 = arith.constant 0 : i32
      %dma_wait3A_193 = arith.constant 0 : i32
      %dma_wait3A_194 = tpu.memref_slice %arg3[%dma_wait3A_192, %dma_wait3A_193] : memref<2560x128xi32, #tpu.memory_space<hbm>> -> memref<1x128xi32, #tpu.memory_space<hbm>>
      %dma_wait3A_195 = tpu.memref_squeeze %dma_wait3A_194 : memref<1x128xi32, #tpu.memory_space<hbm>> -> memref<128xi32, #tpu.memory_space<hbm>>
      %dma_wait3A_196 = arith.constant 0 : i32
      %dma_wait3A_197 = tpu.memref_slice %arg3[%dma_wait3A_192, %dma_wait3A_196] : memref<2560x128xi32, #tpu.memory_space<hbm>> -> memref<1x128xi32, #tpu.memory_space<hbm>>
      %dma_wait3A_198 = tpu.memref_squeeze %dma_wait3A_197 : memref<1x128xi32, #tpu.memory_space<hbm>> -> memref<128xi32, #tpu.memory_space<hbm>>
      tpu.wait_dma2 semaphore(%arg26 : memref<!tpu.dma_semaphore, #tpu.memory_space<semaphore_mem>>) src(%dma_wait3A_198 : memref<128xi32, #tpu.memory_space<hbm>>) dst(%arg13 : memref<128xi32, #tpu.memory_space<vmem>>)
      "tpu.region"() ({
        %run_scoped3A = tpu.sem_alloc : memref<!tpu.dma_semaphore, #tpu.memory_space<semaphore_mem>>
        %dma_start3A_241 = arith.constant 0 : i32
        %dma_start3A_242 = arith.constant 0 : i32
        %dma_start3A_243 = tpu.memref_slice %arg17[%dma_start3A_241, %dma_start3A_242] : memref<10240x128xf32, #tpu.memory_space<vmem_shared>> -> memref<10240x128xf32, #tpu.memory_space<vmem_shared>>
        tpu.enqueue_indirect_dma source(%arg15 : memref<128x128xf32, #tpu.memory_space<vmem>>) target(%dma_start3A_243 : memref<10240x128xf32, #tpu.memory_space<vmem_shared>>) offsets(%arg13 : memref<128xi32, #tpu.memory_space<vmem>>) semaphore(%run_scoped3A : memref<!tpu.dma_semaphore, #tpu.memory_space<semaphore_mem>>) {add = true}
        %dma_wait3A_244 = arith.constant 0 : i32
        %dma_wait3A_245 = arith.constant 0 : i32
        %dma_wait3A_246 = tpu.memref_slice %arg17[%dma_wait3A_244, %dma_wait3A_245] : memref<10240x128xf32, #tpu.memory_space<vmem_shared>> -> memref<10240x128xf32, #tpu.memory_space<vmem_shared>>
        tpu.wait_indirect_dma semaphore(%run_scoped3A : memref<!tpu.dma_semaphore, #tpu.memory_space<semaphore_mem>>) src(%arg15 : memref<128x128xf32, #tpu.memory_space<vmem>>) dst(%dma_wait3A_246 : memref<10240x128xf32, #tpu.memory_space<vmem_shared>>)
        tpu.yield
      }) : () -> ()
      %add3A_199 = arith.constant 4 : i32
      %add3A_200 = arith.addi %add3A_188, %add3A_199 : i32
      %lt3A_201 = arith.constant 80 : i32
      %lt3A_202 = arith.cmpi slt, %add3A_200, %lt3A_201 : i32
      %convert_element_type3A_203 = arith.extui %lt3A_202 : i1 to i32
      %cond3A_204 = arith.constant 0 : i32
      %cond3A_205 = arith.cmpi ne, %convert_element_type3A_203, %cond3A_204 : i32
      scf.if %cond3A_205 {
        %add3A_241 = arith.addi %mul3A_22, %add3A_188 : i32
        %add3A_242 = arith.constant 4 : i32
        %add3A_243 = arith.addi %add3A_241, %add3A_242 : i32
        %dma_start3A_244 = arith.constant 0 : i32
        %dma_start3A_245 = tpu.memref_slice %arg2[%add3A_243, %dma_start3A_244] : memref<2560x128xi32, #tpu.memory_space<hbm>> -> memref<1x128xi32, #tpu.memory_space<hbm>>
        %dma_start3A_246 = tpu.memref_squeeze %dma_start3A_245 : memref<1x128xi32, #tpu.memory_space<hbm>> -> memref<128xi32, #tpu.memory_space<hbm>>
        %dma_start3A_247 = arith.constant 0 : i32
        %dma_start3A_248 = tpu.memref_slice %arg2[%add3A_243, %dma_start3A_247] : memref<2560x128xi32, #tpu.memory_space<hbm>> -> memref<1x128xi32, #tpu.memory_space<hbm>>
        %dma_start3A_249 = tpu.memref_squeeze %dma_start3A_248 : memref<1x128xi32, #tpu.memory_space<hbm>> -> memref<128xi32, #tpu.memory_space<hbm>>
        tpu.enqueue_dma source(%dma_start3A_249 : memref<128xi32, #tpu.memory_space<hbm>>) target(%arg9 : memref<128xi32, #tpu.memory_space<vmem>>) target_semaphore(%arg22 : memref<!tpu.dma_semaphore, #tpu.memory_space<semaphore_mem>>)
        %add3A_250 = arith.addi %mul3A_22, %add3A_188 : i32
        %add3A_251 = arith.constant 4 : i32
        %add3A_252 = arith.addi %add3A_250, %add3A_251 : i32
        %dma_start3A_253 = arith.constant 0 : i32
        %dma_start3A_254 = tpu.memref_slice %arg3[%add3A_252, %dma_start3A_253] : memref<2560x128xi32, #tpu.memory_space<hbm>> -> memref<1x128xi32, #tpu.memory_space<hbm>>
        %dma_start3A_255 = tpu.memref_squeeze %dma_start3A_254 : memref<1x128xi32, #tpu.memory_space<hbm>> -> memref<128xi32, #tpu.memory_space<hbm>>
        %dma_start3A_256 = arith.constant 0 : i32
        %dma_start3A_257 = tpu.memref_slice %arg3[%add3A_252, %dma_start3A_256] : memref<2560x128xi32, #tpu.memory_space<hbm>> -> memref<1x128xi32, #tpu.memory_space<hbm>>
        %dma_start3A_258 = tpu.memref_squeeze %dma_start3A_257 : memref<1x128xi32, #tpu.memory_space<hbm>> -> memref<128xi32, #tpu.memory_space<hbm>>
        tpu.enqueue_dma source(%dma_start3A_258 : memref<128xi32, #tpu.memory_space<hbm>>) target(%arg13 : memref<128xi32, #tpu.memory_space<vmem>>) target_semaphore(%arg26 : memref<!tpu.dma_semaphore, #tpu.memory_space<semaphore_mem>>)
      } else {
      }
      %add3A_206 = arith.constant 2 : i32
      %add3A_207 = arith.addi %add3A_188, %add3A_206 : i32
      %lt3A_208 = arith.constant 80 : i32
      %lt3A_209 = arith.cmpi slt, %add3A_207, %lt3A_208 : i32
      %convert_element_type3A_210 = arith.extui %lt3A_209 : i1 to i32
      %cond3A_211 = arith.constant 0 : i32
      %cond3A_212 = arith.cmpi ne, %convert_element_type3A_210, %cond3A_211 : i32
      scf.if %cond3A_212 {
        %dma_wait3A_241 = arith.constant 0 : i32
        %dma_wait3A_242 = arith.constant 0 : i32
        %dma_wait3A_243 = tpu.memref_slice %arg2[%dma_wait3A_241, %dma_wait3A_242] : memref<2560x128xi32, #tpu.memory_space<hbm>> -> memref<1x128xi32, #tpu.memory_space<hbm>>
        %dma_wait3A_244 = tpu.memref_squeeze %dma_wait3A_243 : memref<1x128xi32, #tpu.memory_space<hbm>> -> memref<128xi32, #tpu.memory_space<hbm>>
        %dma_wait3A_245 = arith.constant 0 : i32
        %dma_wait3A_246 = tpu.memref_slice %arg2[%dma_wait3A_241, %dma_wait3A_245] : memref<2560x128xi32, #tpu.memory_space<hbm>> -> memref<1x128xi32, #tpu.memory_space<hbm>>
        %dma_wait3A_247 = tpu.memref_squeeze %dma_wait3A_246 : memref<1x128xi32, #tpu.memory_space<hbm>> -> memref<128xi32, #tpu.memory_space<hbm>>
        tpu.wait_dma2 semaphore(%arg20 : memref<!tpu.dma_semaphore, #tpu.memory_space<semaphore_mem>>) src(%dma_wait3A_247 : memref<128xi32, #tpu.memory_space<hbm>>) dst(%arg7 : memref<128xi32, #tpu.memory_space<vmem>>)
        %dma_start3A_248 = arith.constant 0 : i32
        %dma_start3A_249 = arith.constant 0 : i32
        %dma_start3A_250 = tpu.memref_slice %arg4[%dma_start3A_248, %dma_start3A_249] : memref<10000x128xf32, #tpu.memory_space<hbm>> -> memref<10000x128xf32, #tpu.memory_space<hbm>>
        tpu.enqueue_indirect_dma source(%dma_start3A_250 : memref<10000x128xf32, #tpu.memory_space<hbm>>) target(%arg15 : memref<128x128xf32, #tpu.memory_space<vmem>>) offsets(%arg7 : memref<128xi32, #tpu.memory_space<vmem>>) semaphore(%arg18 : memref<!tpu.dma_semaphore, #tpu.memory_space<semaphore_mem>>)
      } else {
      }
      %mul3A_213 = arith.constant 4 : i32
      %mul3A_214 = arith.muli %scan3A_131, %mul3A_213 : i32
      %add3A_215 = arith.constant 3 : i32
      %add3A_216 = arith.addi %mul3A_214, %add3A_215 : i32
      %dma_wait3A_217 = arith.constant 0 : i32
      %dma_wait3A_218 = arith.constant 0 : i32
      %dma_wait3A_219 = tpu.memref_slice %arg4[%dma_wait3A_217, %dma_wait3A_218] : memref<10000x128xf32, #tpu.memory_space<hbm>> -> memref<10000x128xf32, #tpu.memory_space<hbm>>
      tpu.wait_indirect_dma semaphore(%arg19 : memref<!tpu.dma_semaphore, #tpu.memory_space<semaphore_mem>>) src(%dma_wait3A_219 : memref<10000x128xf32, #tpu.memory_space<hbm>>) dst(%arg16 : memref<128x128xf32, #tpu.memory_space<vmem>>)
      %dma_wait3A_220 = arith.constant 0 : i32
      %dma_wait3A_221 = arith.constant 0 : i32
      %dma_wait3A_222 = tpu.memref_slice %arg3[%dma_wait3A_220, %dma_wait3A_221] : memref<2560x128xi32, #tpu.memory_space<hbm>> -> memref<1x128xi32, #tpu.memory_space<hbm>>
      %dma_wait3A_223 = tpu.memref_squeeze %dma_wait3A_222 : memref<1x128xi32, #tpu.memory_space<hbm>> -> memref<128xi32, #tpu.memory_space<hbm>>
      %dma_wait3A_224 = arith.constant 0 : i32
      %dma_wait3A_225 = tpu.memref_slice %arg3[%dma_wait3A_220, %dma_wait3A_224] : memref<2560x128xi32, #tpu.memory_space<hbm>> -> memref<1x128xi32, #tpu.memory_space<hbm>>
      %dma_wait3A_226 = tpu.memref_squeeze %dma_wait3A_225 : memref<1x128xi32, #tpu.memory_space<hbm>> -> memref<128xi32, #tpu.memory_space<hbm>>
      tpu.wait_dma2 semaphore(%arg27 : memref<!tpu.dma_semaphore, #tpu.memory_space<semaphore_mem>>) src(%dma_wait3A_226 : memref<128xi32, #tpu.memory_space<hbm>>) dst(%arg14 : memref<128xi32, #tpu.memory_space<vmem>>)
      "tpu.region"() ({
        %run_scoped3A = tpu.sem_alloc : memref<!tpu.dma_semaphore, #tpu.memory_space<semaphore_mem>>
        %dma_start3A_241 = arith.constant 0 : i32
        %dma_start3A_242 = arith.constant 0 : i32
        %dma_start3A_243 = tpu.memref_slice %arg17[%dma_start3A_241, %dma_start3A_242] : memref<10240x128xf32, #tpu.memory_space<vmem_shared>> -> memref<10240x128xf32, #tpu.memory_space<vmem_shared>>
        tpu.enqueue_indirect_dma source(%arg16 : memref<128x128xf32, #tpu.memory_space<vmem>>) target(%dma_start3A_243 : memref<10240x128xf32, #tpu.memory_space<vmem_shared>>) offsets(%arg14 : memref<128xi32, #tpu.memory_space<vmem>>) semaphore(%run_scoped3A : memref<!tpu.dma_semaphore, #tpu.memory_space<semaphore_mem>>) {add = true}
        %dma_wait3A_244 = arith.constant 0 : i32
        %dma_wait3A_245 = arith.constant 0 : i32
        %dma_wait3A_246 = tpu.memref_slice %arg17[%dma_wait3A_244, %dma_wait3A_245] : memref<10240x128xf32, #tpu.memory_space<vmem_shared>> -> memref<10240x128xf32, #tpu.memory_space<vmem_shared>>
        tpu.wait_indirect_dma semaphore(%run_scoped3A : memref<!tpu.dma_semaphore, #tpu.memory_space<semaphore_mem>>) src(%arg16 : memref<128x128xf32, #tpu.memory_space<vmem>>) dst(%dma_wait3A_246 : memref<10240x128xf32, #tpu.memory_space<vmem_shared>>)
        tpu.yield
      }) : () -> ()
      %add3A_227 = arith.constant 4 : i32
      %add3A_228 = arith.addi %add3A_216, %add3A_227 : i32
      %lt3A_229 = arith.constant 80 : i32
      %lt3A_230 = arith.cmpi slt, %add3A_228, %lt3A_229 : i32
      %convert_element_type3A_231 = arith.extui %lt3A_230 : i1 to i32
      %cond3A_232 = arith.constant 0 : i32
      %cond3A_233 = arith.cmpi ne, %convert_element_type3A_231, %cond3A_232 : i32
      scf.if %cond3A_233 {
        %add3A_241 = arith.addi %mul3A_22, %add3A_216 : i32
        %add3A_242 = arith.constant 4 : i32
        %add3A_243 = arith.addi %add3A_241, %add3A_242 : i32
        %dma_start3A_244 = arith.constant 0 : i32
        %dma_start3A_245 = tpu.memref_slice %arg2[%add3A_243, %dma_start3A_244] : memref<2560x128xi32, #tpu.memory_space<hbm>> -> memref<1x128xi32, #tpu.memory_space<hbm>>
        %dma_start3A_246 = tpu.memref_squeeze %dma_start3A_245 : memref<1x128xi32, #tpu.memory_space<hbm>> -> memref<128xi32, #tpu.memory_space<hbm>>
        %dma_start3A_247 = arith.constant 0 : i32
        %dma_start3A_248 = tpu.memref_slice %arg2[%add3A_243, %dma_start3A_247] : memref<2560x128xi32, #tpu.memory_space<hbm>> -> memref<1x128xi32, #tpu.memory_space<hbm>>
        %dma_start3A_249 = tpu.memref_squeeze %dma_start3A_248 : memref<1x128xi32, #tpu.memory_space<hbm>> -> memref<128xi32, #tpu.memory_space<hbm>>
        tpu.enqueue_dma source(%dma_start3A_249 : memref<128xi32, #tpu.memory_space<hbm>>) target(%arg10 : memref<128xi32, #tpu.memory_space<vmem>>) target_semaphore(%arg23 : memref<!tpu.dma_semaphore, #tpu.memory_space<semaphore_mem>>)
        %add3A_250 = arith.addi %mul3A_22, %add3A_216 : i32
        %add3A_251 = arith.constant 4 : i32
        %add3A_252 = arith.addi %add3A_250, %add3A_251 : i32
        %dma_start3A_253 = arith.constant 0 : i32
        %dma_start3A_254 = tpu.memref_slice %arg3[%add3A_252, %dma_start3A_253] : memref<2560x128xi32, #tpu.memory_space<hbm>> -> memref<1x128xi32, #tpu.memory_space<hbm>>
        %dma_start3A_255 = tpu.memref_squeeze %dma_start3A_254 : memref<1x128xi32, #tpu.memory_space<hbm>> -> memref<128xi32, #tpu.memory_space<hbm>>
        %dma_start3A_256 = arith.constant 0 : i32
        %dma_start3A_257 = tpu.memref_slice %arg3[%add3A_252, %dma_start3A_256] : memref<2560x128xi32, #tpu.memory_space<hbm>> -> memref<1x128xi32, #tpu.memory_space<hbm>>
        %dma_start3A_258 = tpu.memref_squeeze %dma_start3A_257 : memref<1x128xi32, #tpu.memory_space<hbm>> -> memref<128xi32, #tpu.memory_space<hbm>>
        tpu.enqueue_dma source(%dma_start3A_258 : memref<128xi32, #tpu.memory_space<hbm>>) target(%arg14 : memref<128xi32, #tpu.memory_space<vmem>>) target_semaphore(%arg27 : memref<!tpu.dma_semaphore, #tpu.memory_space<semaphore_mem>>)
      } else {
      }
      %add3A_234 = arith.constant 2 : i32
      %add3A_235 = arith.addi %add3A_216, %add3A_234 : i32
      %lt3A_236 = arith.constant 80 : i32
      %lt3A_237 = arith.cmpi slt, %add3A_235, %lt3A_236 : i32
      %convert_element_type3A_238 = arith.extui %lt3A_237 : i1 to i32
      %cond3A_239 = arith.constant 0 : i32
      %cond3A_240 = arith.cmpi ne, %convert_element_type3A_238, %cond3A_239 : i32
      scf.if %cond3A_240 {
        %dma_wait3A_241 = arith.constant 0 : i32
        %dma_wait3A_242 = arith.constant 0 : i32
        %dma_wait3A_243 = tpu.memref_slice %arg2[%dma_wait3A_241, %dma_wait3A_242] : memref<2560x128xi32, #tpu.memory_space<hbm>> -> memref<1x128xi32, #tpu.memory_space<hbm>>
        %dma_wait3A_244 = tpu.memref_squeeze %dma_wait3A_243 : memref<1x128xi32, #tpu.memory_space<hbm>> -> memref<128xi32, #tpu.memory_space<hbm>>
        %dma_wait3A_245 = arith.constant 0 : i32
        %dma_wait3A_246 = tpu.memref_slice %arg2[%dma_wait3A_241, %dma_wait3A_245] : memref<2560x128xi32, #tpu.memory_space<hbm>> -> memref<1x128xi32, #tpu.memory_space<hbm>>
        %dma_wait3A_247 = tpu.memref_squeeze %dma_wait3A_246 : memref<1x128xi32, #tpu.memory_space<hbm>> -> memref<128xi32, #tpu.memory_space<hbm>>
        tpu.wait_dma2 semaphore(%arg21 : memref<!tpu.dma_semaphore, #tpu.memory_space<semaphore_mem>>) src(%dma_wait3A_247 : memref<128xi32, #tpu.memory_space<hbm>>) dst(%arg8 : memref<128xi32, #tpu.memory_space<vmem>>)
        %dma_start3A_248 = arith.constant 0 : i32
        %dma_start3A_249 = arith.constant 0 : i32
        %dma_start3A_250 = tpu.memref_slice %arg4[%dma_start3A_248, %dma_start3A_249] : memref<10000x128xf32, #tpu.memory_space<hbm>> -> memref<10000x128xf32, #tpu.memory_space<hbm>>
        tpu.enqueue_indirect_dma source(%dma_start3A_250 : memref<10000x128xf32, #tpu.memory_space<hbm>>) target(%arg16 : memref<128x128xf32, #tpu.memory_space<vmem>>) offsets(%arg8 : memref<128xi32, #tpu.memory_space<vmem>>) semaphore(%arg19 : memref<!tpu.dma_semaphore, #tpu.memory_space<semaphore_mem>>)
      } else {
      }
    }
    %scan3A_109 = arith.constant 20 : i32
    %barrier3A_110 = arith.constant 0 : index
    tpu.barrier barrier_id(%barrier3A_110)
    %mul3A_111 = arith.constant 640 : i32
    %mul3A_112 = arith.muli %arg1, %mul3A_111 : i32
    %add3A_113 = arith.constant 0 : i32
    %add3A_114 = arith.addi %mul3A_112, %add3A_113 : i32
    "tpu.region"() ({
      %run_scoped3A = tpu.sem_alloc : memref<!tpu.dma_semaphore, #tpu.memory_space<semaphore_mem>>
      %dma_start3A_131 = arith.constant 0 : i32
      %dma_start3A_132 = tpu.memref_slice %arg6[%arg0, %add3A_114, %dma_start3A_131] : memref<2x10240x128xf32, #tpu.memory_space<hbm>> -> memref<1x128x128xf32, #tpu.memory_space<hbm>>
      %dma_start3A_133 = tpu.memref_squeeze %dma_start3A_132 : memref<1x128x128xf32, #tpu.memory_space<hbm>> -> memref<128x128xf32, #tpu.memory_space<hbm>>
      %dma_start3A_134 = arith.constant 0 : i32
      %dma_start3A_135 = tpu.memref_slice %arg17[%add3A_114, %dma_start3A_134] : memref<10240x128xf32, #tpu.memory_space<vmem_shared>> -> memref<128x128xf32, #tpu.memory_space<vmem_shared>>
      tpu.enqueue_dma source(%dma_start3A_135 : memref<128x128xf32, #tpu.memory_space<vmem_shared>>) target(%dma_start3A_133 : memref<128x128xf32, #tpu.memory_space<hbm>>) target_semaphore(%run_scoped3A : memref<!tpu.dma_semaphore, #tpu.memory_space<semaphore_mem>>)
      %dma_wait3A_136 = arith.constant 0 : i32
      %dma_wait3A_137 = tpu.memref_slice %arg6[%arg0, %add3A_114, %dma_wait3A_136] : memref<2x10240x128xf32, #tpu.memory_space<hbm>> -> memref<1x128x128xf32, #tpu.memory_space<hbm>>
      %dma_wait3A_138 = tpu.memref_squeeze %dma_wait3A_137 : memref<1x128x128xf32, #tpu.memory_space<hbm>> -> memref<128x128xf32, #tpu.memory_space<hbm>>
      %dma_wait3A_139 = arith.constant 0 : i32
      %dma_wait3A_140 = tpu.memref_slice %arg17[%add3A_114, %dma_wait3A_139] : memref<10240x128xf32, #tpu.memory_space<vmem_shared>> -> memref<128x128xf32, #tpu.memory_space<vmem_shared>>
      tpu.wait_dma2 semaphore(%run_scoped3A : memref<!tpu.dma_semaphore, #tpu.memory_space<semaphore_mem>>) src(%dma_wait3A_140 : memref<128x128xf32, #tpu.memory_space<vmem_shared>>) dst(%dma_wait3A_138 : memref<128x128xf32, #tpu.memory_space<hbm>>)
      tpu.yield
    }) : () -> ()
    %mul3A_115 = arith.constant 640 : i32
    %mul3A_116 = arith.muli %arg1, %mul3A_115 : i32
    %add3A_117 = arith.constant 128 : i32
    %add3A_118 = arith.addi %mul3A_116, %add3A_117 : i32
    "tpu.region"() ({
      %run_scoped3A = tpu.sem_alloc : memref<!tpu.dma_semaphore, #tpu.memory_space<semaphore_mem>>
      %dma_start3A_131 = arith.constant 0 : i32
      %dma_start3A_132 = tpu.memref_slice %arg6[%arg0, %add3A_118, %dma_start3A_131] : memref<2x10240x128xf32, #tpu.memory_space<hbm>> -> memref<1x128x128xf32, #tpu.memory_space<hbm>>
      %dma_start3A_133 = tpu.memref_squeeze %dma_start3A_132 : memref<1x128x128xf32, #tpu.memory_space<hbm>> -> memref<128x128xf32, #tpu.memory_space<hbm>>
      %dma_start3A_134 = arith.constant 0 : i32
      %dma_start3A_135 = tpu.memref_slice %arg17[%add3A_118, %dma_start3A_134] : memref<10240x128xf32, #tpu.memory_space<vmem_shared>> -> memref<128x128xf32, #tpu.memory_space<vmem_shared>>
      tpu.enqueue_dma source(%dma_start3A_135 : memref<128x128xf32, #tpu.memory_space<vmem_shared>>) target(%dma_start3A_133 : memref<128x128xf32, #tpu.memory_space<hbm>>) target_semaphore(%run_scoped3A : memref<!tpu.dma_semaphore, #tpu.memory_space<semaphore_mem>>)
      %dma_wait3A_136 = arith.constant 0 : i32
      %dma_wait3A_137 = tpu.memref_slice %arg6[%arg0, %add3A_118, %dma_wait3A_136] : memref<2x10240x128xf32, #tpu.memory_space<hbm>> -> memref<1x128x128xf32, #tpu.memory_space<hbm>>
      %dma_wait3A_138 = tpu.memref_squeeze %dma_wait3A_137 : memref<1x128x128xf32, #tpu.memory_space<hbm>> -> memref<128x128xf32, #tpu.memory_space<hbm>>
      %dma_wait3A_139 = arith.constant 0 : i32
      %dma_wait3A_140 = tpu.memref_slice %arg17[%add3A_118, %dma_wait3A_139] : memref<10240x128xf32, #tpu.memory_space<vmem_shared>> -> memref<128x128xf32, #tpu.memory_space<vmem_shared>>
      tpu.wait_dma2 semaphore(%run_scoped3A : memref<!tpu.dma_semaphore, #tpu.memory_space<semaphore_mem>>) src(%dma_wait3A_140 : memref<128x128xf32, #tpu.memory_space<vmem_shared>>) dst(%dma_wait3A_138 : memref<128x128xf32, #tpu.memory_space<hbm>>)
      tpu.yield
    }) : () -> ()
    %mul3A_119 = arith.constant 640 : i32
    %mul3A_120 = arith.muli %arg1, %mul3A_119 : i32
    %add3A_121 = arith.constant 256 : i32
    %add3A_122 = arith.addi %mul3A_120, %add3A_121 : i32
    "tpu.region"() ({
      %run_scoped3A = tpu.sem_alloc : memref<!tpu.dma_semaphore, #tpu.memory_space<semaphore_mem>>
      %dma_start3A_131 = arith.constant 0 : i32
      %dma_start3A_132 = tpu.memref_slice %arg6[%arg0, %add3A_122, %dma_start3A_131] : memref<2x10240x128xf32, #tpu.memory_space<hbm>> -> memref<1x128x128xf32, #tpu.memory_space<hbm>>
      %dma_start3A_133 = tpu.memref_squeeze %dma_start3A_132 : memref<1x128x128xf32, #tpu.memory_space<hbm>> -> memref<128x128xf32, #tpu.memory_space<hbm>>
      %dma_start3A_134 = arith.constant 0 : i32
      %dma_start3A_135 = tpu.memref_slice %arg17[%add3A_122, %dma_start3A_134] : memref<10240x128xf32, #tpu.memory_space<vmem_shared>> -> memref<128x128xf32, #tpu.memory_space<vmem_shared>>
      tpu.enqueue_dma source(%dma_start3A_135 : memref<128x128xf32, #tpu.memory_space<vmem_shared>>) target(%dma_start3A_133 : memref<128x128xf32, #tpu.memory_space<hbm>>) target_semaphore(%run_scoped3A : memref<!tpu.dma_semaphore, #tpu.memory_space<semaphore_mem>>)
      %dma_wait3A_136 = arith.constant 0 : i32
      %dma_wait3A_137 = tpu.memref_slice %arg6[%arg0, %add3A_122, %dma_wait3A_136] : memref<2x10240x128xf32, #tpu.memory_space<hbm>> -> memref<1x128x128xf32, #tpu.memory_space<hbm>>
      %dma_wait3A_138 = tpu.memref_squeeze %dma_wait3A_137 : memref<1x128x128xf32, #tpu.memory_space<hbm>> -> memref<128x128xf32, #tpu.memory_space<hbm>>
      %dma_wait3A_139 = arith.constant 0 : i32
      %dma_wait3A_140 = tpu.memref_slice %arg17[%add3A_122, %dma_wait3A_139] : memref<10240x128xf32, #tpu.memory_space<vmem_shared>> -> memref<128x128xf32, #tpu.memory_space<vmem_shared>>
      tpu.wait_dma2 semaphore(%run_scoped3A : memref<!tpu.dma_semaphore, #tpu.memory_space<semaphore_mem>>) src(%dma_wait3A_140 : memref<128x128xf32, #tpu.memory_space<vmem_shared>>) dst(%dma_wait3A_138 : memref<128x128xf32, #tpu.memory_space<hbm>>)
      tpu.yield
    }) : () -> ()
    %mul3A_123 = arith.constant 640 : i32
    %mul3A_124 = arith.muli %arg1, %mul3A_123 : i32
    %add3A_125 = arith.constant 384 : i32
    %add3A_126 = arith.addi %mul3A_124, %add3A_125 : i32
    "tpu.region"() ({
      %run_scoped3A = tpu.sem_alloc : memref<!tpu.dma_semaphore, #tpu.memory_space<semaphore_mem>>
      %dma_start3A_131 = arith.constant 0 : i32
      %dma_start3A_132 = tpu.memref_slice %arg6[%arg0, %add3A_126, %dma_start3A_131] : memref<2x10240x128xf32, #tpu.memory_space<hbm>> -> memref<1x128x128xf32, #tpu.memory_space<hbm>>
      %dma_start3A_133 = tpu.memref_squeeze %dma_start3A_132 : memref<1x128x128xf32, #tpu.memory_space<hbm>> -> memref<128x128xf32, #tpu.memory_space<hbm>>
      %dma_start3A_134 = arith.constant 0 : i32
      %dma_start3A_135 = tpu.memref_slice %arg17[%add3A_126, %dma_start3A_134] : memref<10240x128xf32, #tpu.memory_space<vmem_shared>> -> memref<128x128xf32, #tpu.memory_space<vmem_shared>>
      tpu.enqueue_dma source(%dma_start3A_135 : memref<128x128xf32, #tpu.memory_space<vmem_shared>>) target(%dma_start3A_133 : memref<128x128xf32, #tpu.memory_space<hbm>>) target_semaphore(%run_scoped3A : memref<!tpu.dma_semaphore, #tpu.memory_space<semaphore_mem>>)
      %dma_wait3A_136 = arith.constant 0 : i32
      %dma_wait3A_137 = tpu.memref_slice %arg6[%arg0, %add3A_126, %dma_wait3A_136] : memref<2x10240x128xf32, #tpu.memory_space<hbm>> -> memref<1x128x128xf32, #tpu.memory_space<hbm>>
      %dma_wait3A_138 = tpu.memref_squeeze %dma_wait3A_137 : memref<1x128x128xf32, #tpu.memory_space<hbm>> -> memref<128x128xf32, #tpu.memory_space<hbm>>
      %dma_wait3A_139 = arith.constant 0 : i32
      %dma_wait3A_140 = tpu.memref_slice %arg17[%add3A_126, %dma_wait3A_139] : memref<10240x128xf32, #tpu.memory_space<vmem_shared>> -> memref<128x128xf32, #tpu.memory_space<vmem_shared>>
      tpu.wait_dma2 semaphore(%run_scoped3A : memref<!tpu.dma_semaphore, #tpu.memory_space<semaphore_mem>>) src(%dma_wait3A_140 : memref<128x128xf32, #tpu.memory_space<vmem_shared>>) dst(%dma_wait3A_138 : memref<128x128xf32, #tpu.memory_space<hbm>>)
      tpu.yield
    }) : () -> ()
    %mul3A_127 = arith.constant 640 : i32
    %mul3A_128 = arith.muli %arg1, %mul3A_127 : i32
    %add3A_129 = arith.constant 512 : i32
    %add3A_130 = arith.addi %mul3A_128, %add3A_129 : i32
    "tpu.region"() ({
      %run_scoped3A = tpu.sem_alloc : memref<!tpu.dma_semaphore, #tpu.memory_space<semaphore_mem>>
      %dma_start3A_131 = arith.constant 0 : i32
      %dma_start3A_132 = tpu.memref_slice %arg6[%arg0, %add3A_130, %dma_start3A_131] : memref<2x10240x128xf32, #tpu.memory_space<hbm>> -> memref<1x128x128xf32, #tpu.memory_space<hbm>>
      %dma_start3A_133 = tpu.memref_squeeze %dma_start3A_132 : memref<1x128x128xf32, #tpu.memory_space<hbm>> -> memref<128x128xf32, #tpu.memory_space<hbm>>
      %dma_start3A_134 = arith.constant 0 : i32
      %dma_start3A_135 = tpu.memref_slice %arg17[%add3A_130, %dma_start3A_134] : memref<10240x128xf32, #tpu.memory_space<vmem_shared>> -> memref<128x128xf32, #tpu.memory_space<vmem_shared>>
      tpu.enqueue_dma source(%dma_start3A_135 : memref<128x128xf32, #tpu.memory_space<vmem_shared>>) target(%dma_start3A_133 : memref<128x128xf32, #tpu.memory_space<hbm>>) target_semaphore(%run_scoped3A : memref<!tpu.dma_semaphore, #tpu.memory_space<semaphore_mem>>)
      %dma_wait3A_136 = arith.constant 0 : i32
      %dma_wait3A_137 = tpu.memref_slice %arg6[%arg0, %add3A_130, %dma_wait3A_136] : memref<2x10240x128xf32, #tpu.memory_space<hbm>> -> memref<1x128x128xf32, #tpu.memory_space<hbm>>
      %dma_wait3A_138 = tpu.memref_squeeze %dma_wait3A_137 : memref<1x128x128xf32, #tpu.memory_space<hbm>> -> memref<128x128xf32, #tpu.memory_space<hbm>>
      %dma_wait3A_139 = arith.constant 0 : i32
      %dma_wait3A_140 = tpu.memref_slice %arg17[%add3A_130, %dma_wait3A_139] : memref<10240x128xf32, #tpu.memory_space<vmem_shared>> -> memref<128x128xf32, #tpu.memory_space<vmem_shared>>
      tpu.wait_dma2 semaphore(%run_scoped3A : memref<!tpu.dma_semaphore, #tpu.memory_space<semaphore_mem>>) src(%dma_wait3A_140 : memref<128x128xf32, #tpu.memory_space<vmem_shared>>) dst(%dma_wait3A_138 : memref<128x128xf32, #tpu.memory_space<hbm>>)
      tpu.yield
    }) : () -> ()
    return
  }
}

module attributes {stable_mosaic.version = 14 : i64} {
  func.func @_mm_body(%arg0: i32, %arg1: memref<1000x128xf32, #tpu.memory_space<vmem>>, %arg2: memref<128x128xf32, #tpu.memory_space<vmem>>, %arg3: memref<1000x1xf32, #tpu.memory_space<vmem>>, %arg4: memref<1000x1xf32, #tpu.memory_space<vmem>>, %arg5: memref<1000x128xf32, #tpu.memory_space<vmem>>) attributes {dimension_semantics = [#tpu.dimension_semantics<arbitrary>], iteration_bounds = array<i64: 10>, scalar_prefetch = 0 : i64, scratch_operands = 0 : i64, tpu.core_type = #tpu.core_type<tc>, window_params = [{transform_indices = @transform_0, window_bounds = array<i64: 1000, 128>}, {pipeline_mode = #tpu.pipeline_mode<synchronous>, transform_indices = @transform_1, window_bounds = array<i64: 128, 128>}, {transform_indices = @transform_2, window_bounds = array<i64: 1000, 1>}, {transform_indices = @transform_3, window_bounds = array<i64: 1000, 1>}, {transform_indices = @transform_4, window_bounds = array<i64: 1000, 128>}]} {
    %get3A = arith.constant 0 : index
    %get3A_0 = arith.constant 0 : index
    %get3A_1 = vector.load %arg3[%get3A, %get3A_0] : memref<1000x1xf32, #tpu.memory_space<vmem>>, vector<1000x1xf32>
    %get3A_2 = arith.constant 0 : index
    %get3A_3 = arith.constant 0 : index
    %get3A_4 = vector.load %arg4[%get3A_2, %get3A_3] : memref<1000x1xf32, #tpu.memory_space<vmem>>, vector<1000x1xf32>
    %add3A = arith.addf %get3A_1, %get3A_4 : vector<1000x1xf32>
    %gt3A = arith.constant 0.000000e+00 : f32
    %gt3A_5 = vector.broadcast %gt3A : f32 to vector<1000x1xf32>
    %gt3A_6 = arith.cmpf ogt, %add3A, %gt3A_5 : vector<1000x1xf32>
    %max3A = arith.constant 9.99999996E-13 : f32
    %max3A_7 = vector.broadcast %max3A : f32 to vector<1000x1xf32>
    %max3A_8 = arith.maximumf %add3A, %max3A_7 : vector<1000x1xf32>
    %rsqrt3A = math.rsqrt %max3A_8 : vector<1000x1xf32>
    %jit3A = arith.constant 0.000000e+00 : f32
    %broadcast_in_dim3A = vector.broadcast %jit3A : f32 to vector<1000x1xf32>
    %select_n3A = arith.select %gt3A_6, %rsqrt3A, %broadcast_in_dim3A : vector<1000x1xi1>, vector<1000x1xf32>
    %get3A_9 = arith.constant 0 : index
    %get3A_10 = arith.constant 0 : index
    %get3A_11 = vector.load %arg1[%get3A_9, %get3A_10] : memref<1000x128xf32, #tpu.memory_space<vmem>>, vector<1000x128xf32>
    %get3A_12 = arith.constant 0 : index
    %get3A_13 = arith.constant 0 : index
    %get3A_14 = vector.load %arg2[%get3A_12, %get3A_13] : memref<128x128xf32, #tpu.memory_space<vmem>>, vector<128x128xf32>
    %dot_general3A = arith.constant dense<0.000000e+00> : vector<1000x128xf32>
    %dot_general3A_15 = tpu.matmul %get3A_11, %get3A_14, %dot_general3A {dimension_numbers = #tpu.dot_dimension_numbers<[1], [0], [0], [1], [0, 0, 1, 1], [], []>, transpose_lhs_hint = false} : vector<1000x128xf32>, vector<128x128xf32>, vector<1000x128xf32> -> vector<1000x128xf32>
    %mul3A = vector.broadcast %select_n3A : vector<1000x1xf32> to vector<1000x128xf32>
    %mul3A_16 = arith.mulf %dot_general3A_15, %mul3A : vector<1000x128xf32>
    %swap3A = arith.constant 0 : index
    %swap3A_17 = arith.constant 0 : index
    %swap3A_18 = vector.load %arg5[%swap3A, %swap3A_17] : memref<1000x128xf32, #tpu.memory_space<vmem>>, vector<1000x128xf32>
    tpu.vector_store %arg5[%swap3A, %swap3A_17], %mul3A_16 {strides = array<i32>} : memref<1000x128xf32, #tpu.memory_space<vmem>>, vector<1000x128xf32>,
    return
  }
  func.func @transform_0(%arg0: i32) -> (i32, i32) {
    %c0_i32 = arith.constant 0 : i32
    %c0_i32_0 = arith.constant 0 : i32
    return %arg0, %c0_i32 : i32, i32
  }
  func.func @transform_1(%arg0: i32) -> (i32, i32) {
    %c0_i32 = arith.constant 0 : i32
    %c0_i32_0 = arith.constant 0 : i32
    %c0_i32_1 = arith.constant 0 : i32
    return %c0_i32, %c0_i32_0 : i32, i32
  }
  func.func @transform_2(%arg0: i32) -> (i32, i32) {
    %c0_i32 = arith.constant 0 : i32
    %c0_i32_0 = arith.constant 0 : i32
    return %arg0, %c0_i32 : i32, i32
  }
  func.func @transform_3(%arg0: i32) -> (i32, i32) {
    %c0_i32 = arith.constant 0 : i32
    %c0_i32_0 = arith.constant 0 : i32
    return %arg0, %c0_i32 : i32, i32
  }
  func.func @transform_4(%arg0: i32) -> (i32, i32) {
    %c0_i32 = arith.constant 0 : i32
    %c0_i32_0 = arith.constant 0 : i32
    return %arg0, %c0_i32 : i32, i32
  }
}

module attributes {stable_mosaic.version = 14 : i64} {
  func.func @_fin_body(%arg0: i32, %arg1: memref<1x1000x128xf32, #tpu.memory_space<vmem>>, %arg2: memref<1x1000x128xf32, #tpu.memory_space<vmem>>, %arg3: memref<1000x1xf32, #tpu.memory_space<vmem>>, %arg4: memref<1000x1xf32, #tpu.memory_space<vmem>>, %arg5: memref<1x128xf32, #tpu.memory_space<vmem>>, %arg6: memref<1000x128xf32, #tpu.memory_space<vmem>>) attributes {dimension_semantics = [#tpu.dimension_semantics<arbitrary>], iteration_bounds = array<i64: 10>, scalar_prefetch = 0 : i64, scratch_operands = 0 : i64, tpu.core_type = #tpu.core_type<tc>, window_params = [{transform_indices = @transform_0, window_bounds = array<i64: 1, 1000, 128>}, {transform_indices = @transform_1, window_bounds = array<i64: 1, 1000, 128>}, {transform_indices = @transform_2, window_bounds = array<i64: 1000, 1>}, {transform_indices = @transform_3, window_bounds = array<i64: 1000, 1>}, {pipeline_mode = #tpu.pipeline_mode<synchronous>, transform_indices = @transform_4, window_bounds = array<i64: 1, 128>}, {transform_indices = @transform_5, window_bounds = array<i64: 1000, 128>}]} {
    %get3A = arith.constant 0 : index
    %get3A_0 = arith.constant 0 : index
    %get3A_1 = vector.load %arg3[%get3A, %get3A_0] : memref<1000x1xf32, #tpu.memory_space<vmem>>, vector<1000x1xf32>
    %get3A_2 = arith.constant 0 : index
    %get3A_3 = arith.constant 0 : index
    %get3A_4 = vector.load %arg4[%get3A_2, %get3A_3] : memref<1000x1xf32, #tpu.memory_space<vmem>>, vector<1000x1xf32>
    %add3A = arith.addf %get3A_1, %get3A_4 : vector<1000x1xf32>
    %gt3A = arith.constant 0.000000e+00 : f32
    %gt3A_5 = vector.broadcast %gt3A : f32 to vector<1000x1xf32>
    %gt3A_6 = arith.cmpf ogt, %add3A, %gt3A_5 : vector<1000x1xf32>
    %max3A = arith.constant 9.99999996E-13 : f32
    %max3A_7 = vector.broadcast %max3A : f32 to vector<1000x1xf32>
    %max3A_8 = arith.maximumf %add3A, %max3A_7 : vector<1000x1xf32>
    %rsqrt3A = math.rsqrt %max3A_8 : vector<1000x1xf32>
    %jit3A = arith.constant 0.000000e+00 : f32
    %broadcast_in_dim3A = vector.broadcast %jit3A : f32 to vector<1000x1xf32>
    %select_n3A = arith.select %gt3A_6, %rsqrt3A, %broadcast_in_dim3A : vector<1000x1xi1>, vector<1000x1xf32>
    %get3A_9 = arith.constant 0 : index
    %get3A_10 = arith.constant 0 : index
    %get3A_11 = arith.constant 0 : index
    %get3A_12 = vector.load %arg1[%get3A_9, %get3A_10, %get3A_11] : memref<1x1000x128xf32, #tpu.memory_space<vmem>>, vector<1x1000x128xf32>
    %get3A_13 = vector.shape_cast %get3A_12 : vector<1x1000x128xf32> to vector<1000x128xf32>
    %get3A_14 = arith.constant 0 : index
    %get3A_15 = arith.constant 0 : index
    %get3A_16 = arith.constant 0 : index
    %get3A_17 = vector.load %arg2[%get3A_14, %get3A_15, %get3A_16] : memref<1x1000x128xf32, #tpu.memory_space<vmem>>, vector<1x1000x128xf32>
    %get3A_18 = vector.shape_cast %get3A_17 : vector<1x1000x128xf32> to vector<1000x128xf32>
    %add3A_19 = arith.addf %get3A_13, %get3A_18 : vector<1000x128xf32>
    %mul3A = vector.broadcast %select_n3A : vector<1000x1xf32> to vector<1000x128xf32>
    %mul3A_20 = arith.mulf %add3A_19, %mul3A : vector<1000x128xf32>
    %get3A_21 = arith.constant 0 : index
    %get3A_22 = arith.constant 0 : index
    %get3A_23 = vector.load %arg5[%get3A_21, %get3A_22] : memref<1x128xf32, #tpu.memory_space<vmem>>, vector<1x128xf32>
    %add3A_24 = vector.broadcast %get3A_23 : vector<1x128xf32> to vector<1000x128xf32>
    %add3A_25 = arith.addf %mul3A_20, %add3A_24 : vector<1000x128xf32>
    %max3A_26 = arith.constant 0.000000e+00 : f32
    %max3A_27 = vector.broadcast %max3A_26 : f32 to vector<1000x128xf32>
    %max3A_28 = arith.maximumf %add3A_25, %max3A_27 : vector<1000x128xf32>
    %swap3A = arith.constant 0 : index
    %swap3A_29 = arith.constant 0 : index
    %swap3A_30 = vector.load %arg6[%swap3A, %swap3A_29] : memref<1000x128xf32, #tpu.memory_space<vmem>>, vector<1000x128xf32>
    tpu.vector_store %arg6[%swap3A, %swap3A_29], %max3A_28 {strides = array<i32>} : memref<1000x128xf32, #tpu.memory_space<vmem>>, vector<1000x128xf32>,
    return
  }
  func.func @transform_0(%arg0: i32) -> (i32, i32, i32) {
    %c0_i32 = arith.constant 0 : i32
    %c0_i32_0 = arith.constant 0 : i32
    %c0_i32_1 = arith.constant 0 : i32
    return %c0_i32, %arg0, %c0_i32_0 : i32, i32, i32
  }
  func.func @transform_1(%arg0: i32) -> (i32, i32, i32) {
    %c1_i32 = arith.constant 1 : i32
    %c0_i32 = arith.constant 0 : i32
    %c0_i32_0 = arith.constant 0 : i32
    return %c1_i32, %arg0, %c0_i32 : i32, i32, i32
  }
  func.func @transform_2(%arg0: i32) -> (i32, i32) {
    %c0_i32 = arith.constant 0 : i32
    %c0_i32_0 = arith.constant 0 : i32
    return %arg0, %c0_i32 : i32, i32
  }
  func.func @transform_3(%arg0: i32) -> (i32, i32) {
    %c0_i32 = arith.constant 0 : i32
    %c0_i32_0 = arith.constant 0 : i32
    return %arg0, %c0_i32 : i32, i32
  }
  func.func @transform_4(%arg0: i32) -> (i32, i32) {
    %c0_i32 = arith.constant 0 : i32
    %c0_i32_0 = arith.constant 0 : i32
    %c0_i32_1 = arith.constant 0 : i32
    return %c0_i32, %c0_i32_0 : i32, i32
  }
  func.func @transform_5(%arg0: i32) -> (i32, i32) {
    %c0_i32 = arith.constant 0 : i32
    %c0_i32_0 = arith.constant 0 : i32
    return %arg0, %c0_i32 : i32, i32
  }
}

</mosaic_0001>

<sc_bundles>
// kernel: kernel.6.cloned.1.call-start
scs
__scs_entry_jumppad:
0x0: {  	(pc) =	sbr.rel $0x88, $3  }
0x1: {  	(tag) =	ssettag $0x0;
	lr =	simm.s32 $0x1  }
0x2: {  	[smem:$0x3F9D] =	sst lr;
	_ =	strace $0xD0000000  }
0x3: {  	_ = 	snop  }
0x4: {  	_ = 	snop  }
0x5: {  	_ = 	snop  }
0x6: {  	_ = 	snop  }
0x7: {  	_ = 	snop  }
__scs_overlays_trampoline_lowered:
0x8: {  	[smem:$0x3FAC] =	sst s0  }
0x9: {  	[smem:$0x3FAD] =	sst s1  }
0xa: {  	[smem:$0x3FAE] =	sst s2  }
0xb: {  	[smem:$0x3FAF] =	sst s3  }
0xc: {  	[smem:$0x3FB0] =	sst s4  }
0xd: {  	[smem:$0x3FB1] =	sst s5  }
0xe: {  	[smem:$0x3FB2] =	sst s6  }
0xf: {  	[smem:$0x3FB3] =	sst s7  }
0x10: {  	[smem:$0x3FB4] =	sst s8  }
0x11: {  	[smem:$0x3FB5] =	sst s9;
	s0 =	simm.s32 @!p0 $0x0  }
0x12: {  	s1 =	sld [smem:$0x3F9B];
	s0 =	simm.s32 @p0 $0x1  }
0x13: {  	[smem:$0x3FB6] =	sst s0;
	s0 =	simm.s32 @!p1 $0x0  }
0x14: {  	s2 =	sld [smem:$0x3F9A];
	s0 =	simm.s32 @p1 $0x1  }
0x15: {  	[smem:$0x3FB7] =	sst s0;
	s0 =	simm.s32 @!p2 $0x0  }
0x16: {  	s3 =	sld [smem:$0x3FDB];
	s0 =	simm.s32 @p2 $0x1  }
0x17: {  	s4 =	simm.s32 $0x1BF5;
	[smem:$0x3FB9] =	sst s0  }
0x18: {  	s0 =	sld [smem:$0x3F9C];
	_ =	swait.ge [sflag:s4], $0x0  }
0x19: {  	s7 =	sld [smem:$0x3F9D]  }
0x1a: {  	s8 =	sadd.s32 $0xFFFFE003, lr  }
0x1b: {  	s9 =	sadd.s32 $0xFFFFFEF7, lr;
	s5 =	simm.s32 $0xFFFFFFFF;
	p2 =	slt.u32 s8, $0xFFFFF086  }
0x1c: {  	p1 =	slt.u32 s9, $0xF7A;
	s5 =	simm.s32 @!p2 $0x0  }
0x1d: {  	s5 =	simm.s32 @p1 $0x1;
	p0 =	seq.s32 s7, s2  }
0x1e: {  	s7 =	smul.u32 @!p0 $0xF7A, s2;
	p2 =	seq.s32 @!p0 s5, $0x0  }
0x1f: {  	s9 =	smul.u32 $0xF7A, s1;
	s8 =	simm.s32 @!p0 $0x1BF5;
	p2 =	por !p2, p0  }
0x20: {  	[sflag:s8] =	ssyncset.s32 @!p0 $0xFFFFF086;
	s6 =	sadd.s32 @!p0 s3, s7;
	s7 =	simm.s32 @!p0 $0x108  }
0x21: {  	s3 =	sadd.s32 s3, s9;
	s6 =	sadd.s32 @!p0 $0x88, s6;
	s7 =	simm.s32 @p2 $0x1082  }
0x22: {  	[simem:s7], [sflag:s8] =	dma.local @!p0 [hbm:s6], $0xF7A  }
0x23: {  	s9 =	sor.u32 $0xD0000000, s2;
	s6 =	simm.s32 $0x108;
	_ =	swait.ge @!p0 [sflag:s8], $0x0  }
0x24: {  	s3 =	sadd.s32 $0x88, s3;
	s6 =	simm.s32 @!p1 $0x1082;
	[sflag:s4] =	ssyncset.s32 $0xFFFFF086  }
0x25: {  	[simem:s6], [sflag:s4] =	dma.local [hbm:s3], $0xF7A  }
0x26: {  	[smem:$0x3F9D] =	sst s1;
	(tag) =	ssettag s2;
	_ =	strace s9  }
0x27: {  	s1 =	sld [smem:$0x3FAD]  }
0x28: {  	s2 =	sld [smem:$0x3FAE]  }
0x29: {  	s4 =	sld [smem:$0x3FB0]  }
0x2a: {  	p0 =	seq.s32 s5, $0x0;
	s5 =	sld [smem:$0x3FB1]  }
0x2b: {  	s6 =	sld [smem:$0x3FB2]  }
0x2c: {  	s7 =	sld [smem:$0x3FB3]  }
0x2d: {  	s3 =	simm.s32 $0x108;
	s8 =	sld [smem:$0x3FB4]  }
0x2e: {  	s3 =	simm.s32 @!p0 $0x1082;
	s9 =	sld [smem:$0x3FB5]  }
0x2f: {  	lr =	sadd.s32 s0, s3;
	s0 =	sld [smem:$0x3FAC]  }
0x30: {  	s3 =	sld [smem:$0x3FAF]  }
0x31: {  	[smem:$0x3FB8] =	sst s10  }
0x32: {  	s10 =	sld [smem:$0x3FB6];
	_ =	sdelay $0x3  }
0x33: {  	p0 =	seq.s32 s10, $0x1;
	s10 =	sld [smem:$0x3FB8];
	_ =	sdelay $0x3  }
0x34: {  	[smem:$0x3FB8] =	sst s10  }
0x35: {  	s10 =	sld [smem:$0x3FB7];
	_ =	sdelay $0x3  }
0x36: {  	p1 =	seq.s32 s10, $0x1;
	s10 =	sld [smem:$0x3FB8];
	_ =	sdelay $0x3  }
0x37: {  	[smem:$0x3FB8] =	sst s10  }
0x38: {  	s10 =	sld [smem:$0x3FB9]  }
0x39: {  	_ = 	snop;
	(pc) =	sbr.ind lr, $3  }
0x3a: {  	_ = 	snop  }
0x3b: {  	_ = 	snop  }
0x3c: {  	p2 =	seq.s32 s10, $0x1;
	s10 =	sld [smem:$0x3FB8]  }
0x3d: {  	_ =	shalt  }
0x3e: {  	_ =	shalt  }
0x3f: {  	_ =	shalt  }
0x40: {  	_ =	shalt  }
0x41: {  	_ =	shalt  }
0x42: {  	_ =	shalt  }
0x43: {  	_ =	shalt  }
0x44: {  	_ =	shalt  }
0x45: {  	_ =	shalt  }
0x46: {  	_ =	shalt  }
0x47: {  	_ =	shalt  }
0x48: {  	_ =	shalt  }
0x49: {  	_ =	shalt  }
0x4a: {  	_ =	shalt  }
0x4b: {  	_ =	shalt  }
0x4c: {  	_ =	shalt  }
0x4d: {  	_ =	shalt  }
0x4e: {  	_ =	shalt  }
0x4f: {  	_ =	shalt  }
0x50: {  	_ =	shalt  }
0x51: {  	_ =	shalt  }
0x52: {  	_ =	shalt  }
0x53: {  	_ =	shalt  }
0x54: {  	_ =	shalt  }
0x55: {  	_ =	shalt  }
0x56: {  	_ =	shalt  }
0x57: {  	_ =	shalt  }
0x58: {  	_ =	shalt  }
0x59: {  	_ =	shalt  }
0x5a: {  	_ =	shalt  }
0x5b: {  	_ =	shalt  }
0x5c: {  	_ =	shalt  }
0x5d: {  	_ =	shalt  }
0x5e: {  	_ =	shalt  }
0x5f: {  	_ =	shalt  }
0x60: {  	_ =	shalt  }
0x61: {  	_ =	shalt  }
0x62: {  	_ =	shalt  }
0x63: {  	_ =	shalt  }
0x64: {  	_ =	shalt  }
0x65: {  	_ =	shalt  }
0x66: {  	_ =	shalt  }
0x67: {  	_ =	shalt  }
0x68: {  	_ =	shalt  }
0x69: {  	_ =	shalt  }
0x6a: {  	_ =	shalt  }
0x6b: {  	_ =	shalt  }
0x6c: {  	_ =	shalt  }
0x6d: {  	_ =	shalt  }
0x6e: {  	_ =	shalt  }
0x6f: {  	_ =	shalt  }
0x70: {  	_ =	shalt  }
0x71: {  	_ =	shalt  }
0x72: {  	_ =	shalt  }
0x73: {  	_ =	shalt  }
0x74: {  	_ =	shalt  }
0x75: {  	_ =	shalt  }
0x76: {  	_ =	shalt  }
0x77: {  	_ =	shalt  }
0x78: {  	_ =	shalt  }
0x79: {  	_ =	shalt  }
0x7a: {  	_ =	shalt  }
0x7b: {  	_ =	shalt  }
0x7c: {  	_ =	shalt  }
0x7d: {  	_ =	shalt  }
0x7e: {  	_ =	shalt  }
0x7f: {  	_ =	shalt  }
0x80: {  	_ =	shalt  }
0x81: {  	_ =	shalt  }
0x82: {  	_ =	shalt  }
0x83: {  	_ =	shalt  }
0x84: {  	_ =	shalt  }
0x85: {  	_ =	shalt  }
0x86: {  	_ =	shalt  }
0x87: {  	_ =	shalt  }
.Lfunc_end0:
.L_simem_size_0:
called_computation_lowered:
.L_overlay_start_0:
0x88: {  	s2 =	sld [smem:$0x3FD9]  }
0x89: {  	s3 =	sld [smem:$0x3FFE];
	_ =	sdelay $0x1  }
0x8a: {  	s1 =	srdreg.scid  }
0x8b: {  	s0 =	sand.u32 $0x1, s1  }
0x8c: {  	s17 =	sshll.u32 s0, $0xA;
	s2 =	sadd.s32 s3, s2  }
0x8d: {  	s2 =	sadd.s32 s2, s17  }
0x8e: {  	[smem:$0x3FC4] =	sst s2  }
0x8f: {  	_ = 	snop  }
0x90: {  	s2 =	sld [smem:$0x3FD0];
	(tm) =	ssettm $0x1  }
0x91: {  	s18 =	sld [smem:$0x3FFB];
	_ =	sdelay $0x3  }
0x92: {  	_ =	strace s18  }
0x93: {  	s3 =	sld [smem:$0x3FFC];
	_ =	sdelay $0x3  }
0x94: {  	_ =	strace s3  }
0x95: {  	s3 =	sld [smem:$0x3FFD];
	_ =	sdelay $0x3  }
0x96: {  	_ =	strace s3  }
0x97: {  	_ =	strace $0x8FFFFFFF  }
0x98: {  	s19 =	sld [smem:$0x3FDB];
	_ =	sdelay $0x1  }
0x99: {  	s4 =	simm.s32 $_scs_section_size  }
0x9a: {  	s5 =	simm.s32 $_size__tile_overlayer_lowered;
	s6 =	simm.s32 $_tile_overlayer_lowered  }
0x9b: {  	s22 =	simm.s32 $0x1BFF;
	s21 =	sshll.u32 s6, $0x1;
	s3 =	sadd.s32 s4, s19  }
0x9c: {  	s7 =	simm.s32 $0x0;
	s20 =	sshll.u32 s5, $0x1;
	s5 =	sadd.s32 s21, s3  }
0x9d: {  	[timem:s7], [sflag:s22] =	dma.local [hbm:s5], s20  }
0x9e: {  	_ =	swait.ge [sflag:s22], s20  }
0x9f: {  	s4 =	ssub.s32 $0x0, s20;
	[sflag:s22] =	ssyncset.done $0x0  }
0xa0: {  	[sflag:s22] =	ssyncadd.s32 s4;
	_ =	sdelay $0x1  }
0xa1: {  	s23 =	simm.s32 $0x1B8B  }
0xa2: {  	_ =	swait.ge [sflag:s23], $0x1  }
0xa3: {  	[sflag:s23] =	ssyncset.done $0x0  }
0xa4: {  	s25 =	simm.s32 $0x1B8E;
	s24 =	sld [smem:$0x3FFE];
	[sflag:s23] =	ssyncadd.s32 $0xFFFFFFFF  }
0xa5: {  	s26 =	simm.s32 $execute0_lowered;
	[smem:$0x3FD2] =	sst s25  }
0xa6: {  	s5 =	sshll.u32 s26, $0x1;
	_ =	strace $0x80000046;
	[dreg:$0x1] =	wrdreg $0xFFFFFFFF  }
0xa7: {  	s28 =	simm.s32 $_size_execute0_lowered;
	s3 =	sadd.s32 s3, s5;
	[dreg:$0x0] =	wrdreg $0x0  }
0xa8: {  	s5 =	sshll.u32 s28, $0x1;
	[dreg:$0x2] =	wrdreg s3  }
0xa9: {  	[dreg:$0x3] =	wrdreg s5  }
0xaa: {  	[dreg:$0x4] =	wrdreg $0xC0  }
0xab: {  	_ =	task [dreg:s7], $0x5FFFF  }
0xac: {  	[dreg:$0x1] =	wrdreg $0xFFFFFFFF  }
0xad: {  	[dreg:$0x0] =	wrdreg $0x60  }
0xae: {  	[dreg:$0x2] =	wrdreg s24  }
0xaf: {  	[dreg:$0x3] =	wrdreg s2  }
0xb0: {  	[dreg:$0x4] =	wrdreg $0x2B000  }
0xb1: {  	[dreg:$0x5] =	wrdreg $0x9  }
0xb2: {  	_ =	task.clear_ibuf [dreg:s7], $0x6FFFF;
	_ =	strace $0x90000046  }
0xb3: {  	s29 =	simm.s32 $0x9;
	_ =	strace $0x80000048  }
0xb4: {  	_ =	swait.ge [sflag:s29], $0x1  }
0xb5: {  	[sflag:s29] =	ssyncadd.s32 $0xFFFFFFFF  }
0xb6: {  	_ =	strace $0x90000048  }
0xb7: {  	_ =	sfence  }
0xb8: {  	s30 =	sld [smem:$0x0];
	_ =	sdelay $0x2  }
0xb9: {  	s31 =	sshll.u32 s1, $0xD;
	s1 =	sshrl.u32 s1, $0x2  }
0xba: {  	s3 =	sand.u32 $0x4000, s31;
	s1 =	sadd.s32 s1, s30  }
0xbb: {  	s0 =	sor.u32 s3, s0;
	s1 =	sshll.u32 s1, $0x11  }
0xbc: {  	s0 =	sor.u32 s1, s0  }
0xbd: {  	s0 =	sadd.s32 $0x8F2B, s0  }
0xbe: {  	[sflag:s0] =	ssyncadd.remote.s32 $0x1  }
0xbf: {  	_ =	sfence.sel $0xFFFF  }
0xc0: {  	[dreg:$0x0] =	wrdreg $0xFFFFFFFF;
	(pc) =	sbr.abs _section_cstart, $3  }
0xc1: {  	[dreg:$0x1] =	wrdreg $0xFFFFFFFF  }
0xc2: {  	_ =	task.clear_ibuf [dreg:s7], $0x2FFFF;
	_ =	strace $0x9FFFFFFF  }
0xc3: {  	(tm) =	ssettm $0x7FFFFFFF  }
tec
execute0_lowered:
.L_overlay_start_1:
0x0: {  	(tag) =	ssettag $0x1  }
0x1: {  	s4 =	rddreg [dreg:$0x0]  }
0x2: {  	s6 =	rddreg [dreg:$0x1]  }
0x3: {  	s0 =	srdreg.scid;
	s2 =	rddreg [dreg:$0x2]  }
0x4: {  	s3 =	simm.s32 $0x0;
	s11 =	simm.s32 $0x2800;
	s14 =	simm.s32 $0x20  }
0x5: {  	s15 =	simm.s32 $0x10;
	s5 =	sand.u32 $0x1, s0;
	s0 =	stileid.u32  }
0x6: {  	s16 =	simm.s32 $0x0;
	[smem:$0x7FF] =	sst s3;
	s8 =	smul.u32 $0xA00, s0  }
0x7: {  	s1 =	sshll.u32 s5, $0x4;
	s9 =	ssub.s32 $0x2, s5;
	s10 =	smul.u32 $0x500, s0  }
0x8: {  	s5 =	sshll.u32 s5, $0x7;
	s12 =	sshll.u32 s0, $0x6;
	s7 =	sor.u32 s0, s1  }
0x9: {  	s1 =	rddreg [dreg:$0x3];
	_ =	strace $0x80000047;
	s28 =	sshrl.u32 s9, $0x1  }
0xa: {  	s12 =	sor.u32 $0x1C01, s12;
	s7 =	smul.u32 $0x500, s7;
	s9 =	ssub.s32 s9, s28  }
0xb: {  	s29 =	sshrl.u32 s8, $0x2;
	s30 =	sor.u32 s5, s10;
	s8 =	simm.s32 $0x2880  }
0xc: {  	s10 =	simm.s32 $0x80;
	s31 =	sshrl.u32 s30, $0x3;
	s7 =	sadd.s32 s7, s4  }
0xd: {  	s4 =	sadd.s32 s29, s2;
	s6 =	sadd.s32 s6, s31;
	s5 =	sadd.s32 $0xB400, s7  }
0xe: {  	v0 =	vimm.f32 $1.000000000e+00;
	v1 =	vimm.f32 $0.0e+00;
	s7 =	smax.u32 s9, $0x1;
	s9 =	simm.s32 $0x1;
	s13 =	sshrl.u32 s4, $0x3  }
.LBB2_1:
0xf: {  	[tilespmem:$0x2800] =	vst v0  }
0x10: {  	[tilespmem:$0x2810] =	vst v0  }
0x11: {  	[tilespmem:$0x2820] =	vst v0  }
0x12: {  	[tilespmem:$0x2830] =	vst v0  }
0x13: {  	[tilespmem:$0x2840] =	vst v0  }
0x14: {  	[tilespmem:$0x2850] =	vst v0  }
0x15: {  	[tilespmem:$0x2860] =	vst v0  }
0x16: {  	[tilespmem:$0x2870] =	vst v0  }
0x17: {  	[tilespmem:$0x2880] =	vst v1  }
0x18: {  	[tilespmem:$0x2890] =	vst v1  }
0x19: {  	[tilespmem:$0x28A0] =	vst v1  }
0x1a: {  	[tilespmem:$0x28B0] =	vst v1  }
0x1b: {  	[tilespmem:$0x28C0] =	vst v1  }
0x1c: {  	[tilespmem:$0x28D0] =	vst v1  }
0x1d: {  	[tilespmem:$0x28E0] =	vst v1  }
0x1e: {  	[tilespmem:$0x28F0] =	vst v1  }
0x1f: {  	[tilespmem:$0x2900] =	vst v1  }
0x20: {  	[tilespmem:$0x2910] =	vst v1  }
0x21: {  	[tilespmem:$0x2920] =	vst v1  }
0x22: {  	[tilespmem:$0x2930] =	vst v1  }
0x23: {  	[tilespmem:$0x2940] =	vst v1  }
0x24: {  	[tilespmem:$0x2950] =	vst v1  }
0x25: {  	[tilespmem:$0x2960] =	vst v1  }
0x26: {  	[tilespmem:$0x2970] =	vst v1  }
0x27: {  	[tilespmem:$0x2980] =	vst v1  }
0x28: {  	[tilespmem:$0x2990] =	vst v1  }
0x29: {  	[tilespmem:$0x29A0] =	vst v1  }
0x2a: {  	[tilespmem:$0x29B0] =	vst v1  }
0x2b: {  	[tilespmem:$0x29C0] =	vst v1  }
0x2c: {  	[tilespmem:$0x29D0] =	vst v1  }
0x2d: {  	[tilespmem:$0x29E0] =	vst v1  }
0x2e: {  	[tilespmem:$0x29F0] =	vst v1  }
0x2f: {  	[tilespmem:$0x2A00] =	vst v1  }
0x30: {  	[tilespmem:$0x2A10] =	vst v1  }
0x31: {  	[tilespmem:$0x2A20] =	vst v1  }
0x32: {  	[tilespmem:$0x2A30] =	vst v1  }
0x33: {  	[tilespmem:$0x2A40] =	vst v1  }
0x34: {  	[tilespmem:$0x2A50] =	vst v1  }
0x35: {  	[tilespmem:$0x2A60] =	vst v1  }
0x36: {  	[tilespmem:$0x2A70] =	vst v1  }
0x37: {  	[tilespmem:$0x2A80] =	vst v1  }
0x38: {  	[tilespmem:$0x2A90] =	vst v1  }
0x39: {  	[tilespmem:$0x2AA0] =	vst v1  }
0x3a: {  	[tilespmem:$0x2AB0] =	vst v1  }
0x3b: {  	[tilespmem:$0x2AC0] =	vst v1  }
0x3c: {  	[tilespmem:$0x2AD0] =	vst v1  }
0x3d: {  	[tilespmem:$0x2AE0] =	vst v1  }
0x3e: {  	[tilespmem:$0x2AF0] =	vst v1  }
0x3f: {  	[spmem:s4] =	stream.linear.scatter [tilespmem:s8], [sflag:$0x1], $0x280, $0x38;
	[tilespmem:$0x2D80] =	vst v63  }
0x40: {  	_ =	swait.ge [sflag:s9], $0x280  }
0x41: {  	[sflag:s9] =	ssyncset.done $0x0  }
0x42: {  	[sflag:s9] =	ssyncadd.s32 $0xFFFFFD80  }
0x43: {  	[tilespmem:s3], [sflag:$0x1] =	stream.linear.gather [hbm4b:s5+s3], $0x2800, $0x38;
	[tilespmem:$0x2D80] =	vst v63  }
0x44: {  	_ =	swait.ge [sflag:s9], $0x2800  }
0x45: {  	[sflag:s9] =	ssyncset.done $0x0  }
0x46: {  	[sflag:s9] =	ssyncadd.s32 $0xFFFFD800  }
0x47: {  	s17 =	simm.s32 $0x0;
	[bflag:$0x0] =	sbarrier.arrive $0xFFFF  }
0x48: {  	[spmem:s2] =	stream.indirect.scatter.add.f32 [tilespmem:s11], [sflag:$0x1], $0x1, s17, s10, $0xb8;
	[tilespmem:$0x2D80] =	vst v63  }
0x49: {  	_ =	swait.ge [sflag:s9], $0x80  }
0x4a: {  	s17 =	simm.s32 $0x200;
	[sflag:s9] =	ssyncset.done $0x0  }
.LBB2_2:
0x4b: {  	s18 =	sshra.s32 s17, $0x2;
	[sflag:s9] =	ssyncadd.s32 $0xFFFFFF80;
	p0 =	sne.s32 s17, $0x9E00  }
0x4c: {  	[spmem:s2] =	stream.indirect.scatter.add.f32 [tilespmem:s11], [sflag:$0x1], $0x1, s18, s10, $0xb8;
	[tilespmem:$0x2D80] =	vst v63  }
.Ltmp0:
0x4d: {  	_ = 	snop;
	(pc) =	sbr.rel @p0 .LBB2_2-.Ltmp0, $4  }
0x4e: {  	_ = 	snop  }
0x4f: {  	s17 =	sadd.s32 $0x200, s17  }
0x50: {  	_ =	swait.ge [sflag:s9], $0x80  }
0x51: {  	[sflag:s9] =	ssyncset.done $0x0  }
0x52: {  	s16 =	sadd.s32 $0x1, s16  }
0x53: {  	[sflag:s9] =	ssyncadd.s32 $0xFFFFFF80;
	p0 =	sne.s32 s16, s7  }
.Ltmp1:
0x54: {  	[bflag:$0x0] =	sbarrier.arrive $0xFFFF;
	(pc) =	sbr.rel @p0 .LBB2_1-.Ltmp1, $4  }
0x55: {  	[hbm:s6@s14], [sflag:s12] =	dma.strided [spmem:s13@s15], $0x50, s9, $0x10   }
0x56: {  	_ =	swait.ge [sflag:s9], $0x50  }
0x57: {  	[sflag:s9] =	ssyncset.done $0x0  }
0x58: {  	[sflag:s9] =	ssyncadd.s32 $0xFFFFFFB0  }
0x59: {  	_ =	sfence.sel $0x180000  }
0x5a: {  	[bflag:$0x0] =	sbarrier.arrive $0xFFFF  }
0x5b: {  	p0 =	sne.s32 s0, $0x0;
	_ =	strace $0x90000047  }
0x5c: {  	s0 =	sadd.s32 @!p0 $0x100000, s1;
	[bflag:$0x2] =	sbarrier.arrive $0xFFFF  }
0x5d: {  	[sflag:s0] =	ssyncadd.tile.s32 @!p0 $0x1;
	_ =	shalt  }
.Lfunc_end2:
_tile_overlayer_lowered:
.L_overlay_start_2:
0x5e: {  	(tag) =	ssettag $0x2  }
0x5f: {  	s0 =	rddreg [dreg:$0x0];
	s2 =	stileid.u32  }
0x60: {  	s1 =	rddreg [dreg:$0x1];
	p0 =	sne.s32 s2, $0x0  }
0x61: {  	s3 =	rddreg [dreg:$0x2];
	[bflag:$0x3] =	sbarrier.arrive $0xFFFF;
	s2 =	simm.s32 @!p0 $0x1C01  }
0x62: {  	[timem:s3], [sflag:s2] =	dma.local @!p0 [hbm:s0], s1  }
0x63: {  	s0 =	simm.s32 @!p0 $0x1  }
0x64: {  	_ =	swait.ge @!p0 [sflag:s0], s1  }
0x65: {  	s1 =	ssub.s32 @!p0 $0x0, s1;
	[sflag:s0] =	ssyncset.done @!p0 $0x0  }
0x66: {  	[sflag:s0] =	ssyncadd.s32 @!p0 s1  }
0x67: {  	[bflag:$0x3] =	sbarrier.arrive $0xFFFF  }
0x68: {  	_ =	shalt  }

// kernel: kernel.9.cloned.1.call-start
scs
__scs_entry_jumppad:
0x0: {  	(pc) =	sbr.rel $0x88, $3  }
0x1: {  	(tag) =	ssettag $0x0;
	lr =	simm.s32 $0x1  }
0x2: {  	[smem:$0x3F9D] =	sst lr;
	_ =	strace $0xD0000000  }
0x3: {  	_ = 	snop  }
0x4: {  	_ = 	snop  }
0x5: {  	_ = 	snop  }
0x6: {  	_ = 	snop  }
0x7: {  	_ = 	snop  }
__scs_overlays_trampoline_lowered:
0x8: {  	[smem:$0x3FAC] =	sst s0  }
0x9: {  	[smem:$0x3FAD] =	sst s1  }
0xa: {  	[smem:$0x3FAE] =	sst s2  }
0xb: {  	[smem:$0x3FAF] =	sst s3  }
0xc: {  	[smem:$0x3FB0] =	sst s4  }
0xd: {  	[smem:$0x3FB1] =	sst s5  }
0xe: {  	[smem:$0x3FB2] =	sst s6  }
0xf: {  	[smem:$0x3FB3] =	sst s7  }
0x10: {  	[smem:$0x3FB4] =	sst s8  }
0x11: {  	[smem:$0x3FB5] =	sst s9;
	s0 =	simm.s32 @!p0 $0x0  }
0x12: {  	s1 =	sld [smem:$0x3F9B];
	s0 =	simm.s32 @p0 $0x1  }
0x13: {  	[smem:$0x3FB6] =	sst s0;
	s0 =	simm.s32 @!p1 $0x0  }
0x14: {  	s2 =	sld [smem:$0x3F9A];
	s0 =	simm.s32 @p1 $0x1  }
0x15: {  	[smem:$0x3FB7] =	sst s0;
	s0 =	simm.s32 @!p2 $0x0  }
0x16: {  	s3 =	sld [smem:$0x3FDB];
	s0 =	simm.s32 @p2 $0x1  }
0x17: {  	s4 =	simm.s32 $0x1BF5;
	[smem:$0x3FB9] =	sst s0  }
0x18: {  	s0 =	sld [smem:$0x3F9C];
	_ =	swait.ge [sflag:s4], $0x0  }
0x19: {  	s7 =	sld [smem:$0x3F9D]  }
0x1a: {  	s8 =	sadd.s32 $0xFFFFE003, lr  }
0x1b: {  	s9 =	sadd.s32 $0xFFFFFEF7, lr;
	s5 =	simm.s32 $0xFFFFFFFF;
	p2 =	slt.u32 s8, $0xFFFFF086  }
0x1c: {  	p1 =	slt.u32 s9, $0xF7A;
	s5 =	simm.s32 @!p2 $0x0  }
0x1d: {  	s5 =	simm.s32 @p1 $0x1;
	p0 =	seq.s32 s7, s2  }
0x1e: {  	s7 =	smul.u32 @!p0 $0xF7A, s2;
	p2 =	seq.s32 @!p0 s5, $0x0  }
0x1f: {  	s9 =	smul.u32 $0xF7A, s1;
	s8 =	simm.s32 @!p0 $0x1BF5;
	p2 =	por !p2, p0  }
0x20: {  	[sflag:s8] =	ssyncset.s32 @!p0 $0xFFFFF086;
	s6 =	sadd.s32 @!p0 s3, s7;
	s7 =	simm.s32 @!p0 $0x108  }
0x21: {  	s3 =	sadd.s32 s3, s9;
	s6 =	sadd.s32 @!p0 $0x88, s6;
	s7 =	simm.s32 @p2 $0x1082  }
0x22: {  	[simem:s7], [sflag:s8] =	dma.local @!p0 [hbm:s6], $0xF7A  }
0x23: {  	s9 =	sor.u32 $0xD0000000, s2;
	s6 =	simm.s32 $0x108;
	_ =	swait.ge @!p0 [sflag:s8], $0x0  }
0x24: {  	s3 =	sadd.s32 $0x88, s3;
	s6 =	simm.s32 @!p1 $0x1082;
	[sflag:s4] =	ssyncset.s32 $0xFFFFF086  }
0x25: {  	[simem:s6], [sflag:s4] =	dma.local [hbm:s3], $0xF7A  }
0x26: {  	[smem:$0x3F9D] =	sst s1;
	(tag) =	ssettag s2;
	_ =	strace s9  }
0x27: {  	s1 =	sld [smem:$0x3FAD]  }
0x28: {  	s2 =	sld [smem:$0x3FAE]  }
0x29: {  	s4 =	sld [smem:$0x3FB0]  }
0x2a: {  	p0 =	seq.s32 s5, $0x0;
	s5 =	sld [smem:$0x3FB1]  }
0x2b: {  	s6 =	sld [smem:$0x3FB2]  }
0x2c: {  	s7 =	sld [smem:$0x3FB3]  }
0x2d: {  	s3 =	simm.s32 $0x108;
	s8 =	sld [smem:$0x3FB4]  }
0x2e: {  	s3 =	simm.s32 @!p0 $0x1082;
	s9 =	sld [smem:$0x3FB5]  }
0x2f: {  	lr =	sadd.s32 s0, s3;
	s0 =	sld [smem:$0x3FAC]  }
0x30: {  	s3 =	sld [smem:$0x3FAF]  }
0x31: {  	[smem:$0x3FB8] =	sst s10  }
0x32: {  	s10 =	sld [smem:$0x3FB6];
	_ =	sdelay $0x3  }
0x33: {  	p0 =	seq.s32 s10, $0x1;
	s10 =	sld [smem:$0x3FB8];
	_ =	sdelay $0x3  }
0x34: {  	[smem:$0x3FB8] =	sst s10  }
0x35: {  	s10 =	sld [smem:$0x3FB7];
	_ =	sdelay $0x3  }
0x36: {  	p1 =	seq.s32 s10, $0x1;
	s10 =	sld [smem:$0x3FB8];
	_ =	sdelay $0x3  }
0x37: {  	[smem:$0x3FB8] =	sst s10  }
0x38: {  	s10 =	sld [smem:$0x3FB9]  }
0x39: {  	_ = 	snop;
	(pc) =	sbr.ind lr, $3  }
0x3a: {  	_ = 	snop  }
0x3b: {  	_ = 	snop  }
0x3c: {  	p2 =	seq.s32 s10, $0x1;
	s10 =	sld [smem:$0x3FB8]  }
0x3d: {  	_ =	shalt  }
0x3e: {  	_ =	shalt  }
0x3f: {  	_ =	shalt  }
0x40: {  	_ =	shalt  }
0x41: {  	_ =	shalt  }
0x42: {  	_ =	shalt  }
0x43: {  	_ =	shalt  }
0x44: {  	_ =	shalt  }
0x45: {  	_ =	shalt  }
0x46: {  	_ =	shalt  }
0x47: {  	_ =	shalt  }
0x48: {  	_ =	shalt  }
0x49: {  	_ =	shalt  }
0x4a: {  	_ =	shalt  }
0x4b: {  	_ =	shalt  }
0x4c: {  	_ =	shalt  }
0x4d: {  	_ =	shalt  }
0x4e: {  	_ =	shalt  }
0x4f: {  	_ =	shalt  }
0x50: {  	_ =	shalt  }
0x51: {  	_ =	shalt  }
0x52: {  	_ =	shalt  }
0x53: {  	_ =	shalt  }
0x54: {  	_ =	shalt  }
0x55: {  	_ =	shalt  }
0x56: {  	_ =	shalt  }
0x57: {  	_ =	shalt  }
0x58: {  	_ =	shalt  }
0x59: {  	_ =	shalt  }
0x5a: {  	_ =	shalt  }
0x5b: {  	_ =	shalt  }
0x5c: {  	_ =	shalt  }
0x5d: {  	_ =	shalt  }
0x5e: {  	_ =	shalt  }
0x5f: {  	_ =	shalt  }
0x60: {  	_ =	shalt  }
0x61: {  	_ =	shalt  }
0x62: {  	_ =	shalt  }
0x63: {  	_ =	shalt  }
0x64: {  	_ =	shalt  }
0x65: {  	_ =	shalt  }
0x66: {  	_ =	shalt  }
0x67: {  	_ =	shalt  }
0x68: {  	_ =	shalt  }
0x69: {  	_ =	shalt  }
0x6a: {  	_ =	shalt  }
0x6b: {  	_ =	shalt  }
0x6c: {  	_ =	shalt  }
0x6d: {  	_ =	shalt  }
0x6e: {  	_ =	shalt  }
0x6f: {  	_ =	shalt  }
0x70: {  	_ =	shalt  }
0x71: {  	_ =	shalt  }
0x72: {  	_ =	shalt  }
0x73: {  	_ =	shalt  }
0x74: {  	_ =	shalt  }
0x75: {  	_ =	shalt  }
0x76: {  	_ =	shalt  }
0x77: {  	_ =	shalt  }
0x78: {  	_ =	shalt  }
0x79: {  	_ =	shalt  }
0x7a: {  	_ =	shalt  }
0x7b: {  	_ =	shalt  }
0x7c: {  	_ =	shalt  }
0x7d: {  	_ =	shalt  }
0x7e: {  	_ =	shalt  }
0x7f: {  	_ =	shalt  }
0x80: {  	_ =	shalt  }
0x81: {  	_ =	shalt  }
0x82: {  	_ =	shalt  }
0x83: {  	_ =	shalt  }
0x84: {  	_ =	shalt  }
0x85: {  	_ =	shalt  }
0x86: {  	_ =	shalt  }
0x87: {  	_ =	shalt  }
.Lfunc_end0:
.L_simem_size_0:
called_computation.1_lowered:
.L_overlay_start_0:
0x88: {  	s2 =	sld [smem:$0x3FD9]  }
0x89: {  	s3 =	sld [smem:$0x3FFE];
	_ =	sdelay $0x1  }
0x8a: {  	s1 =	srdreg.scid  }
0x8b: {  	s0 =	sand.u32 $0x1, s1  }
0x8c: {  	s17 =	sshll.u32 s0, $0xA;
	s2 =	sadd.s32 s3, s2  }
0x8d: {  	s2 =	sadd.s32 s2, s17  }
0x8e: {  	[smem:$0x3FC4] =	sst s2  }
0x8f: {  	_ = 	snop  }
0x90: {  	s2 =	sld [smem:$0x3FD0];
	(tm) =	ssettm $0x1  }
0x91: {  	s18 =	sld [smem:$0x3FFB];
	_ =	sdelay $0x3  }
0x92: {  	_ =	strace s18  }
0x93: {  	s3 =	sld [smem:$0x3FFC];
	_ =	sdelay $0x3  }
0x94: {  	_ =	strace s3  }
0x95: {  	s3 =	sld [smem:$0x3FFD];
	_ =	sdelay $0x3  }
0x96: {  	_ =	strace s3  }
0x97: {  	_ =	strace $0x8FFFFFFF  }
0x98: {  	s19 =	sld [smem:$0x3FDB];
	_ =	sdelay $0x1  }
0x99: {  	s4 =	simm.s32 $_scs_section_size  }
0x9a: {  	s5 =	simm.s32 $_size__tile_overlayer_lowered;
	s6 =	simm.s32 $_tile_overlayer_lowered  }
0x9b: {  	s22 =	simm.s32 $0x1BFF;
	s21 =	sshll.u32 s6, $0x1;
	s3 =	sadd.s32 s4, s19  }
0x9c: {  	s7 =	simm.s32 $0x0;
	s20 =	sshll.u32 s5, $0x1;
	s5 =	sadd.s32 s21, s3  }
0x9d: {  	[timem:s7], [sflag:s22] =	dma.local [hbm:s5], s20  }
0x9e: {  	_ =	swait.ge [sflag:s22], s20  }
0x9f: {  	s4 =	ssub.s32 $0x0, s20;
	[sflag:s22] =	ssyncset.done $0x0  }
0xa0: {  	[sflag:s22] =	ssyncadd.s32 s4;
	_ =	sdelay $0x1  }
0xa1: {  	s23 =	simm.s32 $0x1B8B  }
0xa2: {  	_ =	swait.ge [sflag:s23], $0x1  }
0xa3: {  	[sflag:s23] =	ssyncset.done $0x0  }
0xa4: {  	s25 =	simm.s32 $0x1B8E;
	s24 =	sld [smem:$0x3FFE];
	[sflag:s23] =	ssyncadd.s32 $0xFFFFFFFF  }
0xa5: {  	s26 =	simm.s32 $execute0_lowered;
	[smem:$0x3FD2] =	sst s25  }
0xa6: {  	s5 =	sshll.u32 s26, $0x1;
	_ =	strace $0x80000049;
	[dreg:$0x1] =	wrdreg $0xFFFFFFFF  }
0xa7: {  	s28 =	simm.s32 $_size_execute0_lowered;
	s3 =	sadd.s32 s3, s5;
	[dreg:$0x0] =	wrdreg $0x0  }
0xa8: {  	s5 =	sshll.u32 s28, $0x1;
	[dreg:$0x2] =	wrdreg s3  }
0xa9: {  	[dreg:$0x3] =	wrdreg s5  }
0xaa: {  	[dreg:$0x4] =	wrdreg $0xC0  }
0xab: {  	_ =	task [dreg:s7], $0x5FFFF  }
0xac: {  	[dreg:$0x1] =	wrdreg $0xFFFFFFFF  }
0xad: {  	[dreg:$0x0] =	wrdreg $0x60  }
0xae: {  	[dreg:$0x2] =	wrdreg s24  }
0xaf: {  	[dreg:$0x3] =	wrdreg s2  }
0xb0: {  	[dreg:$0x4] =	wrdreg $0x84000  }
0xb1: {  	[dreg:$0x5] =	wrdreg $0x9  }
0xb2: {  	_ =	task.clear_ibuf [dreg:s7], $0x6FFFF;
	_ =	strace $0x90000049  }
0xb3: {  	s29 =	simm.s32 $0x9;
	_ =	strace $0x8000004B  }
0xb4: {  	_ =	swait.ge [sflag:s29], $0x1  }
0xb5: {  	[sflag:s29] =	ssyncadd.s32 $0xFFFFFFFF  }
0xb6: {  	_ =	strace $0x9000004B  }
0xb7: {  	_ =	sfence  }
0xb8: {  	s30 =	sld [smem:$0x0];
	_ =	sdelay $0x2  }
0xb9: {  	s31 =	sshll.u32 s1, $0xD;
	s1 =	sshrl.u32 s1, $0x2  }
0xba: {  	s3 =	sand.u32 $0x4000, s31;
	s1 =	sadd.s32 s1, s30  }
0xbb: {  	s0 =	sor.u32 s3, s0;
	s1 =	sshll.u32 s1, $0x11  }
0xbc: {  	s0 =	sor.u32 s1, s0  }
0xbd: {  	s0 =	sadd.s32 $0x8F2B, s0  }
0xbe: {  	[sflag:s0] =	ssyncadd.remote.s32 $0x1  }
0xbf: {  	_ =	sfence.sel $0xFFFF  }
0xc0: {  	[dreg:$0x0] =	wrdreg $0xFFFFFFFF;
	(pc) =	sbr.abs _section_cstart, $3  }
0xc1: {  	[dreg:$0x1] =	wrdreg $0xFFFFFFFF  }
0xc2: {  	_ =	task.clear_ibuf [dreg:s7], $0x2FFFF;
	_ =	strace $0x9FFFFFFF  }
0xc3: {  	(tm) =	ssettm $0x7FFFFFFF  }
tec
execute0_lowered:
.L_overlay_start_1:
0x0: {  	(tag) =	ssettag $0x1  }
0x1: {  	s2 =	rddreg [dreg:$0x0]  }
0x2: {  	s0 =	rddreg [dreg:$0x1]  }
0x3: {  	s1 =	simm.s32 $0x0;
	s3 =	srdreg.scid;
	s16 =	stileid.u32  }
0x4: {  	s29 =	simm.s32 $0xB;
	s30 =	simm.s32 $0x200;
	s31 =	simm.s32 $0x80  }
0x5: {  	[smem:$0x7FF] =	sst s1;
	s4 =	sadd.s32 $0x1400, s2;
	s5 =	sadd.s32 $0xB400, s2  }
0x6: {  	s3 =	sand.u32 $0x1, s3;
	s9 =	smul.u32 $0x14000, s16;
	s10 =	sadd.s32 $0x15C00, s2  }
0x7: {  	s2 =	sadd.s32 $0x15400, s2;
	s6 =	ssub.s32 $0x2, s3;
	s19 =	smul.u32 $0x140000, s3  }
0x8: {  	s7 =	sshll.u32 s3, $0x4;
	s3 =	smul.u32 $0x5000, s3;
	s8 =	sshrl.u32 s6, $0x1  }
0x9: {  	s7 =	sor.u32 s16, s7;
	s11 =	sadd.s32 $0x8000, s9;
	s12 =	sadd.s32 $0xC000, s9  }
0xa: {  	s13 =	sadd.s32 $0x10000, s9;
	s6 =	ssub.s32 s6, s8;
	s7 =	smul.u32 $0x500, s7  }
0xb: {  	s8 =	sadd.s32 $0x4000, s9;
	s21 =	sadd.s32 s9, s19;
	s23 =	sadd.s32 s19, s11  }
0xc: {  	s26 =	sadd.s32 s19, s12;
	s22 =	sadd.s32 s19, s8;
	s25 =	sshrl.u32 s23, $0x3  }
0xd: {  	s14 =	sadd.s32 s4, s7;
	s28 =	sor.u32 $0x10, s7;
	s15 =	sadd.s32 s5, s7  }
0xe: {  	s18 =	sor.u32 $0x20, s7;
	s7 =	sor.u32 $0x30, s7;
	[dreg:$0x4] =	wrdreg s14  }
0xf: {  	s9 =	sshrl.u32 s22, $0x3;
	s22 =	sshll.u32 s16, $0x6;
	[dreg:$0x5] =	wrdreg s15  }
0x10: {  	s17 =	sadd.s32 s4, s28;
	s14 =	sadd.s32 s5, s28;
	s20 =	sadd.s32 s4, s7  }
0x11: {  	s7 =	sadd.s32 s5, s7;
	s24 =	sadd.s32 s10, s9;
	[dreg:$0x6] =	wrdreg s17  }
0x12: {  	s28 =	sadd.s32 s19, s13;
	s15 =	smul.u32 $0x50000, s16;
	[dreg:$0x7] =	wrdreg s14  }
0x13: {  	s22 =	sor.u32 $0x1C0B, s22;
	s17 =	sadd.s32 s4, s18;
	[dreg:$0xa] =	wrdreg s20  }
0x14: {  	s14 =	sadd.s32 s5, s18;
	[dreg:$0xb] =	wrdreg s7;
	s7 =	sshrl.u32 s21, $0x3  }
0x15: {  	[dreg:$0xd] =	wrdreg s24;
	s9 =	sshrl.u32 s28, $0x3;
	s4 =	sadd.s32 s3, s4  }
0x16: {  	s3 =	sadd.s32 s3, s5;
	s28 =	smax.u32 s6, $0x1;
	[dreg:$0x8] =	wrdreg s17  }
0x17: {  	s5 =	simm.s32 $0x380;
	s6 =	simm.s32 $0x3;
	[dreg:$0x9] =	wrdreg s14  }
0x18: {  	s7 =	sadd.s32 s10, s7;
	s14 =	smul.u32 $0x500, s16;
	s17 =	rddreg [dreg:$0x2]  }
0x19: {  	s20 =	sshrl.u32 s15, $0x2;
	s16 =	simm.s32 $0x280;
	s15 =	simm.s32 $0x6  }
0x1a: {  	[dreg:$0xc] =	wrdreg s7;
	s7 =	sadd.s32 s10, s25;
	s21 =	sadd.s32 s20, s17  }
0x1b: {  	s23 =	sadd.s32 s8, s17;
	[dreg:$0xe] =	wrdreg s7;
	s7 =	sshrl.u32 s26, $0x3  }
0x1c: {  	s24 =	sadd.s32 s11, s17;
	s25 =	sadd.s32 s12, s17;
	s7 =	sadd.s32 s10, s7  }
0x1d: {  	s8 =	simm.s32 $0x4;
	s10 =	sadd.s32 s10, s9;
	[dreg:$0xf] =	wrdreg s7  }
0x1e: {  	s11 =	simm.s32 $0x7;
	s12 =	simm.s32 $0x5;
	[dreg:$0x10] =	wrdreg s10  }
0x1f: {  	s18 =	sadd.s32 s14, s4;
	_ =	strace $0x8000004A;
	[dreg:$0x11] =	wrdreg s2  }
0x20: {  	s19 =	sadd.s32 s14, s3;
	s26 =	sadd.s32 s13, s17;
	[dreg:$0x12] =	wrdreg s21  }
0x21: {  	s3 =	simm.s32 $0x300;
	s4 =	simm.s32 $0x180;
	[dreg:$0x14] =	wrdreg s23  }
.Ltmp0:
0x22: {  	s13 =	simm.s32 $0x2;
	[dreg:$0x15] =	wrdreg s24;
	(pc) =	sbr.rel .LBB2_1-.Ltmp0, $4  }
0x23: {  	s14 =	simm.s32 $0x8;
	s9 =	simm.s32 $0x4400;
	[dreg:$0x16] =	wrdreg s25  }
0x24: {  	s7 =	simm.s32 $0x400;
	s10 =	simm.s32 $0x1;
	[dreg:$0x17] =	wrdreg s26  }
0x25: {  	[dreg:$0x18] =	wrdreg s28;
	s2 =	simm.s32 $0x100;
	s21 =	simm.s32 $0x9  }
0x26: {  	s23 =	simm.s32 $0xA;
	s24 =	simm.s32 $0x0;
	[dreg:$0x13] =	wrdreg s22  }
.LBB2_4:
0x27: {  	_ =	swait.ge [sflag:s13], $0x4000  }
0x28: {  	[sflag:s13] =	ssyncset.done $0x0  }
0x29: {  	[sflag:s13] =	ssyncadd.s32 $0xFFFFC000  }
0x2a: {  	_ =	swait.ge [sflag:s23], $0x80  }
0x2b: {  	[sflag:s23] =	ssyncset.done $0x0  }
0x2c: {  	[sflag:s23] =	ssyncadd.s32 $0xFFFFFF80  }
0x2d: {  	[spmem:s17] =	stream.indirect.scatter.add.f32 [tilespmem:s9], [sflag:$0xB], $0x80, s5, s31, $0xb8;
	[tilespmem:$0x1C400] =	vst v63  }
0x2e: {  	_ =	swait.ge [sflag:s29], $0x4000  }
0x2f: {  	[sflag:s29] =	ssyncset.done $0x0  }
0x30: {  	[sflag:s29] =	ssyncadd.s32 $0xFFFFC000  }
0x31: {  	[bflag:$0x0] =	sbarrier.arrive $0xFFFF  }
0x32: {  	s20 =	rddreg [dreg:$0xc]  }
0x33: {  	s22 =	rddreg [dreg:$0x13]  }
0x34: {  	s24 =	rddreg [dreg:$0x1a]  }
0x35: {  	[hbm:s20], [sflag:s22] =	dma.local [spmem:s24], $0x800  }
0x36: {  	_ =	swait.ge [sflag:s29], $0x800  }
0x37: {  	[sflag:s29] =	ssyncset.done $0x0;
	s26 =	rddreg [dreg:$0xd]  }
0x38: {  	s28 =	rddreg [dreg:$0x1b];
	[sflag:s29] =	ssyncadd.s32 $0xFFFFF800  }
0x39: {  	[hbm:s26], [sflag:s22] =	dma.local [spmem:s28], $0x800  }
0x3a: {  	_ =	swait.ge [sflag:s29], $0x800  }
0x3b: {  	[sflag:s29] =	ssyncset.done $0x0;
	s24 =	rddreg [dreg:$0xe]  }
0x3c: {  	s25 =	rddreg [dreg:$0x1c];
	[sflag:s29] =	ssyncadd.s32 $0xFFFFF800  }
0x3d: {  	[hbm:s24], [sflag:s22] =	dma.local [spmem:s25], $0x800  }
0x3e: {  	_ =	swait.ge [sflag:s29], $0x800  }
0x3f: {  	[sflag:s29] =	ssyncset.done $0x0;
	s26 =	rddreg [dreg:$0xf]  }
0x40: {  	s28 =	rddreg [dreg:$0x1d];
	[sflag:s29] =	ssyncadd.s32 $0xFFFFF800  }
0x41: {  	[hbm:s26], [sflag:s22] =	dma.local [spmem:s28], $0x800  }
0x42: {  	_ =	swait.ge [sflag:s29], $0x800  }
0x43: {  	[sflag:s29] =	ssyncset.done $0x0;
	s24 =	rddreg [dreg:$0x10]  }
0x44: {  	s25 =	rddreg [dreg:$0x1e];
	[sflag:s29] =	ssyncadd.s32 $0xFFFFF800  }
0x45: {  	[hbm:s24], [sflag:s22] =	dma.local [spmem:s25], $0x800  }
0x46: {  	_ =	swait.ge [sflag:s29], $0x800  }
0x47: {  	s26 =	rddreg [dreg:$0x19]  }
0x48: {  	s28 =	rddreg [dreg:$0x18];
	s24 =	sadd.s32 $0x1, s26  }
0x49: {  	p0 =	sne.s32 s24, s28  }
.Ltmp1:
0x4a: {  	_ = 	snop;
	(pc) =	sbr.rel @!p0 .LBB2_5-.Ltmp1, $3  }
0x4b: {  	_ =	sdelay $0x1  }
0x4c: {  	[sflag:s29] =	ssyncset.done $0x0  }
0x4d: {  	[sflag:s29] =	ssyncadd.s32 $0xFFFFF800  }
.LBB2_1:
0x4e: {  	[dreg:$0x19] =	wrdreg s24  }
0x4f: {  	s20 =	rddreg [dreg:$0x12]  }
0x50: {  	s26 =	sshrl.u32 s20, $0x3;
	s20 =	rddreg [dreg:$0x11]  }
0x51: {  	[dreg:$0x1a] =	wrdreg s26  }
0x52: {  	[spmem:s26], [sflag:s22] =	dma.local [hbm:s20], $0x800  }
0x53: {  	_ =	swait.ge [sflag:s29], $0x800  }
0x54: {  	s25 =	rddreg [dreg:$0x14]  }
0x55: {  	[sflag:s29] =	ssyncset.done $0x0;
	s24 =	sshrl.u32 s25, $0x3  }
0x56: {  	[sflag:s29] =	ssyncadd.s32 $0xFFFFF800;
	[dreg:$0x1b] =	wrdreg s24  }
0x57: {  	[spmem:s24], [sflag:s22] =	dma.local [hbm:s20], $0x800  }
0x58: {  	_ =	swait.ge [sflag:s29], $0x800  }
0x59: {  	s26 =	rddreg [dreg:$0x15]  }
0x5a: {  	[sflag:s29] =	ssyncset.done $0x0;
	s24 =	sshrl.u32 s26, $0x3  }
0x5b: {  	[sflag:s29] =	ssyncadd.s32 $0xFFFFF800;
	[dreg:$0x1c] =	wrdreg s24  }
0x5c: {  	[spmem:s24], [sflag:s22] =	dma.local [hbm:s20], $0x800  }
0x5d: {  	_ =	swait.ge [sflag:s29], $0x800  }
0x5e: {  	s25 =	rddreg [dreg:$0x16]  }
0x5f: {  	[sflag:s29] =	ssyncset.done $0x0;
	s24 =	sshrl.u32 s25, $0x3  }
0x60: {  	[sflag:s29] =	ssyncadd.s32 $0xFFFFF800;
	[dreg:$0x1d] =	wrdreg s24  }
0x61: {  	[spmem:s24], [sflag:s22] =	dma.local [hbm:s20], $0x800  }
0x62: {  	_ =	swait.ge [sflag:s29], $0x800  }
0x63: {  	s26 =	rddreg [dreg:$0x17]  }
0x64: {  	[sflag:s29] =	ssyncset.done $0x0;
	s24 =	sshrl.u32 s26, $0x3  }
0x65: {  	[sflag:s29] =	ssyncadd.s32 $0xFFFFF800;
	[dreg:$0x1e] =	wrdreg s24  }
0x66: {  	[spmem:s24], [sflag:s22] =	dma.local [hbm:s20], $0x800  }
0x67: {  	_ =	swait.ge [sflag:s29], $0x800  }
0x68: {  	[sflag:s29] =	ssyncset.done $0x0  }
0x69: {  	s22 =	rddreg [dreg:$0x4];
	[sflag:s29] =	ssyncadd.s32 $0xFFFFF800  }
0x6a: {  	[tilespmem:s1], [sflag:$0x3] =	stream.linear.gather [hbm4b:s22+s1], $0x80, $0x38;
	[tilespmem:$0x1C400] =	vst v63  }
0x6b: {  	s24 =	rddreg [dreg:$0x5]  }
0x6c: {  	[tilespmem:s30], [sflag:$0x7] =	stream.linear.gather [hbm4b:s24+s1], $0x80, $0x38;
	[tilespmem:$0x1C400] =	vst v63  }
0x6d: {  	s25 =	rddreg [dreg:$0x6]  }
0x6e: {  	[tilespmem:s31], [sflag:$0x4] =	stream.linear.gather [hbm4b:s25+s1], $0x80, $0x38;
	[tilespmem:$0x1C400] =	vst v63  }
0x6f: {  	s26 =	rddreg [dreg:$0x7]  }
0x70: {  	[tilespmem:s16], [sflag:$0x8] =	stream.linear.gather [hbm4b:s26+s1], $0x80, $0x38;
	[tilespmem:$0x1C400] =	vst v63  }
0x71: {  	s22 =	rddreg [dreg:$0x8]  }
0x72: {  	[tilespmem:s2], [sflag:$0x5] =	stream.linear.gather [hbm4b:s22+s1], $0x80, $0x38;
	[tilespmem:$0x1C400] =	vst v63  }
0x73: {  	s24 =	rddreg [dreg:$0x9]  }
0x74: {  	[tilespmem:s3], [sflag:$0x9] =	stream.linear.gather [hbm4b:s24+s1], $0x80, $0x38;
	[tilespmem:$0x1C400] =	vst v63  }
0x75: {  	s25 =	rddreg [dreg:$0xa]  }
0x76: {  	[tilespmem:s4], [sflag:$0x6] =	stream.linear.gather [hbm4b:s25+s1], $0x80, $0x38;
	[tilespmem:$0x1C400] =	vst v63  }
0x77: {  	s26 =	rddreg [dreg:$0xb]  }
0x78: {  	[tilespmem:s5], [sflag:$0xA] =	stream.linear.gather [hbm4b:s26+s1], $0x80, $0x38;
	[tilespmem:$0x1C400] =	vst v63  }
0x79: {  	[bflag:$0x0] =	sbarrier.arrive $0xFFFF  }
0x7a: {  	_ =	swait.ge [sflag:s6], $0x80  }
0x7b: {  	[sflag:s6] =	ssyncset.done $0x0  }
0x7c: {  	[sflag:s6] =	ssyncadd.s32 $0xFFFFFF80  }
0x7d: {  	[tilespmem:s7], [sflag:$0x1] =	stream.indirect.gather [hbm4b:s0+s31], $0x80, s1, s31, $0xb8;
	[tilespmem:$0x1C400] =	vst v63  }
0x7e: {  	_ =	swait.ge [sflag:s8], $0x80  }
0x7f: {  	[sflag:s8] =	ssyncset.done $0x0  }
0x80: {  	s28 =	simm.s32 $0x0;
	[sflag:s8] =	ssyncadd.s32 $0xFFFFFF80  }
0x81: {  	[tilespmem:s9], [sflag:$0x2] =	stream.indirect.gather [hbm4b:s0+s31], $0x80, s31, s31, $0xb8;
	[tilespmem:$0x1C400] =	vst v63  }
.LBB2_2:
0x82: {  	_ =	swait.ge [sflag:s10], $0x4000  }
0x83: {  	[sflag:s10] =	ssyncset.done $0x0  }
0x84: {  	[sflag:s10] =	ssyncadd.s32 $0xFFFFC000  }
0x85: {  	_ =	swait.ge [sflag:s11], $0x80  }
0x86: {  	[sflag:s11] =	ssyncset.done $0x0  }
0x87: {  	[sflag:s11] =	ssyncadd.s32 $0xFFFFFF80  }
0x88: {  	[spmem:s17] =	stream.indirect.scatter.add.f32 [tilespmem:s7], [sflag:$0xB], $0x80, s30, s31, $0xb8;
	[tilespmem:$0x1C400] =	vst v63  }
0x89: {  	p0 =	seq.s32 s28, $0x4C0;
	_ =	swait.ge [sflag:s29], $0x4000  }
0x8a: {  	s25 =	sadd.s32 @!p0 s28, s18;
	[sflag:s29] =	ssyncset.done $0x0  }
0x8b: {  	s20 =	simm.s32 @!p0 $0x0;
	s26 =	sadd.s32 @!p0 $0x40, s25;
	[sflag:s29] =	ssyncadd.s32 $0xFFFFC000  }
0x8c: {  	[tilespmem:s20], [sflag:$0x3] =	stream.linear.gather @!p0 [hbm4b:s26+s20], $0x80, $0x38;
	[tilespmem:$0x1C400] =	vst v63  }
0x8d: {  	s26 =	sadd.s32 @!p0 s28, s19  }
0x8e: {  	s22 =	simm.s32 @!p0 $0x200;
	s24 =	sadd.s32 @!p0 $0x40, s26  }
0x8f: {  	[tilespmem:s22], [sflag:$0x7] =	stream.linear.gather @!p0 [hbm4b:s24+s20], $0x80, $0x38;
	[tilespmem:$0x1C400] =	vst v63  }
0x90: {  	_ =	swait.ge [sflag:s12], $0x80  }
0x91: {  	[sflag:s12] =	ssyncset.done $0x0  }
0x92: {  	[sflag:s12] =	ssyncadd.s32 $0xFFFFFF80  }
0x93: {  	[tilespmem:s7], [sflag:$0x1] =	stream.indirect.gather [hbm4b:s0+s31], $0x80, s2, s31, $0xb8;
	[tilespmem:$0x1C400] =	vst v63  }
0x94: {  	_ =	swait.ge [sflag:s13], $0x4000  }
0x95: {  	[sflag:s13] =	ssyncset.done $0x0  }
0x96: {  	[sflag:s13] =	ssyncadd.s32 $0xFFFFC000  }
0x97: {  	_ =	swait.ge [sflag:s14], $0x80  }
0x98: {  	[sflag:s14] =	ssyncset.done $0x0  }
0x99: {  	[sflag:s14] =	ssyncadd.s32 $0xFFFFFF80  }
0x9a: {  	[spmem:s17] =	stream.indirect.scatter.add.f32 [tilespmem:s9], [sflag:$0xB], $0x80, s16, s31, $0xb8;
	[tilespmem:$0x1C400] =	vst v63  }
0x9b: {  	_ =	swait.ge [sflag:s29], $0x4000  }
0x9c: {  	[sflag:s29] =	ssyncset.done $0x0  }
0x9d: {  	s22 =	sadd.s32 @!p0 $0x50, s25;
	s24 =	simm.s32 @!p0 $0x80;
	[sflag:s29] =	ssyncadd.s32 $0xFFFFC000  }
0x9e: {  	[tilespmem:s24], [sflag:$0x4] =	stream.linear.gather @!p0 [hbm4b:s22+s20], $0x80, $0x38;
	[tilespmem:$0x1C400] =	vst v63  }
0x9f: {  	s22 =	sadd.s32 @!p0 $0x50, s26;
	s24 =	simm.s32 @!p0 $0x280  }
0xa0: {  	[tilespmem:s24], [sflag:$0x8] =	stream.linear.gather @!p0 [hbm4b:s22+s20], $0x80, $0x38;
	[tilespmem:$0x1C400] =	vst v63  }
0xa1: {  	_ =	swait.ge [sflag:s15], $0x80  }
0xa2: {  	[sflag:s15] =	ssyncset.done $0x0  }
0xa3: {  	[sflag:s15] =	ssyncadd.s32 $0xFFFFFF80  }
0xa4: {  	[tilespmem:s9], [sflag:$0x2] =	stream.indirect.gather [hbm4b:s0+s31], $0x80, s4, s31, $0xb8;
	[tilespmem:$0x1C400] =	vst v63  }
0xa5: {  	_ =	swait.ge [sflag:s10], $0x4000  }
0xa6: {  	[sflag:s10] =	ssyncset.done $0x0  }
0xa7: {  	[sflag:s10] =	ssyncadd.s32 $0xFFFFC000  }
0xa8: {  	_ =	swait.ge [sflag:s21], $0x80  }
0xa9: {  	[sflag:s21] =	ssyncset.done $0x0  }
.Ltmp2:
0xaa: {  	[sflag:s21] =	ssyncadd.s32 $0xFFFFFF80;
	(pc) =	sbr.rel @p0 .LBB2_4-.Ltmp2, $4  }
0xab: {  	[spmem:s17] =	stream.indirect.scatter.add.f32 [tilespmem:s7], [sflag:$0xB], $0x80, s3, s31, $0xb8;
	[tilespmem:$0x1C400] =	vst v63  }
0xac: {  	_ =	swait.ge [sflag:s29], $0x4000  }
0xad: {  	[sflag:s29] =	ssyncset.done $0x0  }
0xae: {  	[sflag:s29] =	ssyncadd.s32 $0xFFFFC000  }
0xaf: {  	s20 =	sadd.s32 s28, s18  }
0xb0: {  	s25 =	sadd.s32 s28, s19;
	s22 =	sadd.s32 $0x60, s20  }
0xb1: {  	[tilespmem:s2], [sflag:$0x5] =	stream.linear.gather [hbm4b:s22+s1], $0x80, $0x38;
	[tilespmem:$0x1C400] =	vst v63  }
0xb2: {  	s24 =	sadd.s32 $0x60, s25  }
0xb3: {  	[tilespmem:s3], [sflag:$0x9] =	stream.linear.gather [hbm4b:s24+s1], $0x80, $0x38;
	[tilespmem:$0x1C400] =	vst v63  }
0xb4: {  	_ =	swait.ge [sflag:s6], $0x80  }
0xb5: {  	[sflag:s6] =	ssyncset.done $0x0  }
0xb6: {  	[sflag:s6] =	ssyncadd.s32 $0xFFFFFF80  }
0xb7: {  	[tilespmem:s7], [sflag:$0x1] =	stream.indirect.gather [hbm4b:s0+s31], $0x80, s1, s31, $0xb8;
	[tilespmem:$0x1C400] =	vst v63  }
0xb8: {  	_ =	swait.ge [sflag:s13], $0x4000  }
0xb9: {  	[sflag:s13] =	ssyncset.done $0x0  }
0xba: {  	[sflag:s13] =	ssyncadd.s32 $0xFFFFC000  }
0xbb: {  	_ =	swait.ge [sflag:s23], $0x80  }
0xbc: {  	[sflag:s23] =	ssyncset.done $0x0  }
0xbd: {  	[sflag:s23] =	ssyncadd.s32 $0xFFFFFF80  }
0xbe: {  	[spmem:s17] =	stream.indirect.scatter.add.f32 [tilespmem:s9], [sflag:$0xB], $0x80, s5, s31, $0xb8;
	[tilespmem:$0x1C400] =	vst v63  }
0xbf: {  	_ =	swait.ge [sflag:s29], $0x4000  }
0xc0: {  	[sflag:s29] =	ssyncset.done $0x0  }
0xc1: {  	s20 =	sadd.s32 $0x70, s20;
	[sflag:s29] =	ssyncadd.s32 $0xFFFFC000  }
0xc2: {  	[tilespmem:s4], [sflag:$0x6] =	stream.linear.gather [hbm4b:s20+s1], $0x80, $0x38;
	[tilespmem:$0x1C400] =	vst v63  }
0xc3: {  	s26 =	sadd.s32 $0x70, s25  }
0xc4: {  	[tilespmem:s5], [sflag:$0xA] =	stream.linear.gather [hbm4b:s26+s1], $0x80, $0x38;
	[tilespmem:$0x1C400] =	vst v63  }
.Ltmp3:
0xc5: {  	_ = 	snop;
	(pc) =	sbr.rel .LBB2_2-.Ltmp3, $4  }
0xc6: {  	_ =	swait.ge [sflag:s8], $0x80  }
0xc7: {  	[sflag:s8] =	ssyncset.done $0x0  }
0xc8: {  	s28 =	sadd.s32 $0x40, s28;
	[sflag:s8] =	ssyncadd.s32 $0xFFFFFF80  }
0xc9: {  	[tilespmem:s9], [sflag:$0x2] =	stream.indirect.gather [hbm4b:s0+s31], $0x80, s31, s31, $0xb8;
	[tilespmem:$0x1C400] =	vst v63  }
.LBB2_5:
0xca: {  	_ =	sfence.sel $0x180000  }
0xcb: {  	[bflag:$0x0] =	sbarrier.arrive $0xFFFF  }
0xcc: {  	_ =	strace $0x9000004A  }
0xcd: {  	s0 =	stileid.u32;
	[bflag:$0x2] =	sbarrier.arrive $0xFFFF  }
0xce: {  	p0 =	sne.s32 s0, $0x0;
	s0 =	rddreg [dreg:$0x3]  }
0xcf: {  	s0 =	sadd.s32 @!p0 $0x100000, s0  }
0xd0: {  	[sflag:s0] =	ssyncadd.tile.s32 @!p0 $0x1;
	_ =	shalt  }
.Lfunc_end2:
_tile_overlayer_lowered:
.L_overlay_start_2:
0xd1: {  	(tag) =	ssettag $0x2  }
0xd2: {  	s0 =	rddreg [dreg:$0x0];
	s2 =	stileid.u32  }
0xd3: {  	s1 =	rddreg [dreg:$0x1];
	p0 =	sne.s32 s2, $0x0  }
0xd4: {  	s3 =	rddreg [dreg:$0x2];
	[bflag:$0x3] =	sbarrier.arrive $0xFFFF;
	s2 =	simm.s32 @!p0 $0x1C0B  }
0xd5: {  	[timem:s3], [sflag:s2] =	dma.local @!p0 [hbm:s0], s1  }
0xd6: {  	s0 =	simm.s32 @!p0 $0xB  }
0xd7: {  	_ =	swait.ge @!p0 [sflag:s0], s1  }
0xd8: {  	s1 =	ssub.s32 @!p0 $0x0, s1;
	[sflag:s0] =	ssyncset.done @!p0 $0x0  }
0xd9: {  	[sflag:s0] =	ssyncadd.s32 @!p0 s1  }
0xda: {  	[bflag:$0x3] =	sbarrier.arrive $0xFFFF  }
0xdb: {  	_ =	shalt  }

</sc_bundles>
